<compile_context>
chip_gen: v7x
topology: tpu7x:2x2x1
jax: 0.10.2.dev20260603
libtpu: 0.0.44.dev20260713+nightly
codegen_flags: <defaults>
</compile_context>

<pallas_src>
import functools

import jax
import jax.numpy as jnp
from jax import lax
from jax.experimental import pallas as pl
from jax.experimental.pallas import tpu as pltpu
from jax.experimental.pallas import tpu_sc as plsc

N, D, E = 2048, 768, 64
NSLOT = 2 * N
TM = 256
NT = NSLOT // TM
NSTEPS = NT + E - 1
BLK = 256
NBLK = N // BLK
NW = 32
TPW = N // NW
EPS = 2.220446049250313e-16
NEG_INF = float("-inf")


def _router_kernel(x_hbm, wg_ref, coef_ref,
                   pos0_ref, pos1_ref, g1_ref, g2_ref, steps_ref, loss_ref,
                   e1_s, e2_s, flat_s, dma_sem):
    cp = pltpu.make_async_copy(x_hbm.at[:, 0, :], flat_s, dma_sem)
    cp.start()
    cp.wait()
    flat = flat_s[...]
    logits = lax.dot_general(flat, wg_ref[...], (((1,), (1,)), ((), ())),
                             preferred_element_type=jnp.float32)
    lane = lax.broadcasted_iota(jnp.int32, (N, E), 1)
    m1 = jnp.max(logits, axis=1, keepdims=True)
    e1 = jnp.min(jnp.where(logits == m1, lane, E), axis=1, keepdims=True)
    masked = jnp.where(lane == e1, NEG_INF, logits)
    m2 = jnp.max(masked, axis=1, keepdims=True)
    e2 = jnp.min(jnp.where(masked == m2, lane, E), axis=1, keepdims=True)
    z2 = jnp.exp(m2 - m1)
    g1 = 1.0 / (1.0 + z2)
    g2 = z2 / (1.0 + z2)
    g1_ref[...] = g1
    g2_ref[...] = g2
    e1_s[...] = e1
    e2_s[...] = e2

    onehot1 = (lane == e1).astype(jnp.float32)
    onehot2 = (lane == e2).astype(jnp.float32)
    count1 = jnp.sum(onehot1, axis=0, keepdims=True)
    count2 = jnp.sum(onehot2, axis=0, keepdims=True)
    counts = count1 + count2

    gates = jnp.where(lane == e1, g1, 0.0) + jnp.where(lane == e2, g2, 0.0)
    importance = jnp.sum(gates, axis=0, keepdims=True)
    load = jnp.sum((gates > 0.0).astype(jnp.float32), axis=0, keepdims=True)

    def cv2(v):
        m = jnp.sum(v) / E
        var = jnp.sum((v - m) ** 2) / (E - 1)
        return var / (m * m + 1e-10)

    loss_ref[0, 0] = (cv2(importance) + cv2(load)) * coef_ref[0, 0]

    r64 = lax.broadcasted_iota(jnp.int32, (E, E), 0)
    c64 = lax.broadcasted_iota(jnp.int32, (E, E), 1)
    excl64 = (r64 < c64).astype(jnp.float32)
    offs = jnp.dot(counts, excl64, preferred_element_type=jnp.float32)
    base1 = offs
    base2 = offs + count1

    incl64 = (r64 <= c64).astype(jnp.float32)
    off_incl = jnp.dot(counts, incl64, preferred_element_type=jnp.float32)
    off_excl = offs
    cnt_pos = counts > 0.0
    ft = jnp.floor(off_excl * (1.0 / TM))
    lt = jnp.where(cnt_pos, jnp.floor((off_incl - 1.0) * (1.0 / TM)), ft)
    items = jnp.where(cnt_pos, lt - ft + 1.0, 0.0)
    sitem_excl = jnp.dot(items, excl64, preferred_element_type=jnp.float32)
    sitem_incl = sitem_excl + items
    total = jnp.sum(items)
    jcol = lax.broadcasted_iota(
        jnp.int32, (NSTEPS, 1), 0).astype(jnp.float32)
    e_of = jnp.sum((sitem_incl <= jcol).astype(jnp.float32),
                   axis=1, keepdims=True)
    e_ofc = jnp.minimum(e_of, float(E - 1))
    lane_s = lax.broadcasted_iota(jnp.int32, (NSTEPS, E), 1)
    onehot_e = (lane_s == e_ofc.astype(jnp.int32)).astype(jnp.float32)
    ft_j = jnp.sum(onehot_e * ft, axis=1, keepdims=True)
    se_j = jnp.sum(onehot_e * sitem_excl, axis=1, keepdims=True)
    gs_j = jnp.sum(onehot_e * off_excl, axis=1, keepdims=True)
    ge_j = jnp.sum(onehot_e * off_incl, axis=1, keepdims=True)
    valid = jcol < total
    t_of = jnp.where(valid, ft_j + (jcol - se_j), float(NT - 1))
    e_pad = jnp.sum(jnp.where(jcol == total - 1.0, e_ofc, 0.0))
    e_fin = jnp.where(valid, e_ofc, e_pad)
    gs_f = jnp.where(valid, gs_j, 0.0)
    ge_f = jnp.where(valid, ge_j, 0.0)
    row0 = t_of * TM
    first = valid & (gs_f <= row0) & (row0 < ge_f)
    steps = jnp.concatenate(
        [t_of, e_fin, gs_f, ge_f,
         valid.astype(jnp.float32), first.astype(jnp.float32),
         jnp.zeros((NSTEPS, 2), jnp.float32)], axis=1)
    steps_ref[...] = steps.astype(jnp.int32)

    rblk = lax.broadcasted_iota(jnp.int32, (BLK, BLK), 0)
    cblk = lax.broadcasted_iota(jnp.int32, (BLK, BLK), 1)
    tri = (rblk > cblk).astype(jnp.float32)
    eye = (rblk == cblk).astype(jnp.float32)
    lane_b = lax.broadcasted_iota(jnp.int32, (BLK, E), 1)

    def body(b, carry):
        run1, run2 = carry
        e1b = e1_s[pl.ds(b * BLK, BLK), :]
        e2b = e2_s[pl.ds(b * BLK, BLK), :]
        oh1 = (lane_b == e1b).astype(jnp.float32)
        oh2 = (lane_b == e2b).astype(jnp.float32)
        pref1 = jnp.dot(tri, oh1, preferred_element_type=jnp.float32) + run1
        pref2 = jnp.dot(tri, oh2, preferred_element_type=jnp.float32) + run2
        p0 = (jnp.sum(pref1 * oh1, axis=1, keepdims=True)
              + jnp.sum(oh1 * base1, axis=1, keepdims=True))
        p1 = (jnp.sum(pref2 * oh2, axis=1, keepdims=True)
              + jnp.sum(oh2 * base2, axis=1, keepdims=True))
        tr = (((0,), (0,)), ((), ()))
        p0r = lax.dot_general(p0, eye, tr,
                              preferred_element_type=jnp.float32)
        p1r = lax.dot_general(p1, eye, tr,
                              preferred_element_type=jnp.float32)
        pos0_ref[pl.ds(b * BLK, BLK)] = jnp.reshape(
            p0r.astype(jnp.int32), (BLK,))
        pos1_ref[pl.ds(b * BLK, BLK)] = jnp.reshape(
            p1r.astype(jnp.int32), (BLK,))
        return (run1 + jnp.sum(oh1, axis=0, keepdims=True),
                run2 + jnp.sum(oh2, axis=0, keepdims=True))

    lax.fori_loop(0, NBLK, body,
                  (jnp.zeros((1, E), jnp.float32),
                   jnp.zeros((1, E), jnp.float32)))


def _router_call(x, coef, w_gate):
    return pl.pallas_call(
        _router_kernel,
        in_specs=[
            pl.BlockSpec(memory_space=pltpu.HBM),
            pl.BlockSpec((E, D), lambda: (0, 0)),
            pl.BlockSpec(memory_space=pltpu.SMEM),
        ],
        out_specs=[
            pl.BlockSpec((N,), lambda: (0,)),
            pl.BlockSpec((N,), lambda: (0,)),
            pl.BlockSpec((N, 1), lambda: (0, 0)),
            pl.BlockSpec((N, 1), lambda: (0, 0)),
            pl.BlockSpec((NSTEPS, 8), lambda: (0, 0)),
            pl.BlockSpec(memory_space=pltpu.SMEM),
        ],
        out_shape=[
            jax.ShapeDtypeStruct((N,), jnp.int32),
            jax.ShapeDtypeStruct((N,), jnp.int32),
            jax.ShapeDtypeStruct((N, 1), jnp.float32),
            jax.ShapeDtypeStruct((N, 1), jnp.float32),
            jax.ShapeDtypeStruct((NSTEPS, 8), jnp.int32),
            jax.ShapeDtypeStruct((1, 1), jnp.float32),
        ],
        scratch_shapes=[
            pltpu.VMEM((N, 1), jnp.int32),
            pltpu.VMEM((N, 1), jnp.int32),
            pltpu.VMEM((N, D), jnp.float32),
            pltpu.SemaphoreType.DMA,
        ],
    )(x, w_gate, coef)


def _gmm_kernel(steps_ref, xs_ref, W_ref, b_ref, out_ref):
    s = pl.program_id(0)
    valid = steps_ref[s, 4]

    @pl.when(valid == 1)
    def _():
        t = steps_ref[s, 0]
        g_start = steps_ref[s, 2]
        g_end = steps_ref[s, 3]
        first = steps_ref[s, 5]
        rows = t * TM + lax.broadcasted_iota(jnp.int32, (TM, 1), 0)
        in_seg = (rows >= g_start) & (rows < g_end)
        out = jnp.dot(xs_ref[...], W_ref[0],
                      preferred_element_type=jnp.float32) + b_ref[0]
        expo = jnp.exp(out)
        prev = jnp.where(first == 1, jnp.zeros_like(expo), out_ref[...])
        out_ref[...] = jnp.where(in_seg, expo, prev)


def _gmm_call(steps, xs, expert_W, expert_b):
    grid_spec = pltpu.PrefetchScalarGridSpec(
        num_scalar_prefetch=1,
        grid=(NSTEPS,),
        in_specs=[
            pl.BlockSpec((TM, D), lambda s, st: (st[s, 0], 0)),
            pl.BlockSpec((1, D, D), lambda s, st: (st[s, 1], 0, 0)),
            pl.BlockSpec((1, 1, D), lambda s, st: (st[s, 1], 0, 0)),
        ],
        out_specs=pl.BlockSpec((TM, D), lambda s, st: (st[s, 0], 0)),
    )
    return pl.pallas_call(
        _gmm_kernel,
        grid_spec=grid_spec,
        out_shape=jax.ShapeDtypeStruct((NSLOT, D), jnp.float32),
        compiler_params=pltpu.CompilerParams(
            dimension_semantics=("arbitrary",)),
    )(steps, xs, expert_W, expert_b.reshape(E, 1, D))


@functools.cache
def _sc_kernels():
    mesh = plsc.VectorSubcoreMesh(core_axis_name="c", subcore_axis_name="s")

    @functools.partial(
        pl.kernel,
        mesh=mesh,
        out_type=jax.ShapeDtypeStruct((NSLOT, D), jnp.float32),
        scratch_types=[
            pltpu.VMEM((TPW,), jnp.int32),
            pltpu.VMEM((TPW,), jnp.int32),
            pltpu.VMEM((TPW, D), jnp.float32),
            pltpu.SemaphoreType.DMA,
            pltpu.SemaphoreType.DMA,
        ],
    )
    def dispatch_sc(x_hbm, pos0_hbm, pos1_hbm, xs_hbm,
                    idx0_v, idx1_v, rows_v, sem0, sem1):
        wid = lax.axis_index("s") * 2 + lax.axis_index("c")
        base = wid * TPW
        pltpu.sync_copy(pos0_hbm.at[pl.ds(base, TPW)], idx0_v)
        pltpu.sync_copy(pos1_hbm.at[pl.ds(base, TPW)], idx1_v)
        pltpu.sync_copy(x_hbm.at[pl.ds(base, TPW), 0], rows_v)
        c0 = pltpu.async_copy(rows_v, xs_hbm.at[idx0_v], sem0)
        c1 = pltpu.async_copy(rows_v, xs_hbm.at[idx1_v], sem1)
        c0.wait()
        c1.wait()

    @functools.partial(
        pl.kernel,
        mesh=mesh,
        out_type=[
            jax.ShapeDtypeStruct((N, D), jnp.float32),
            jax.ShapeDtypeStruct((N, D), jnp.float32),
        ],
        scratch_types=[
            pltpu.VMEM((TPW,), jnp.int32),
            pltpu.VMEM((TPW,), jnp.int32),
            pltpu.VMEM((TPW, D), jnp.float32),
            pltpu.VMEM((TPW, D), jnp.float32),
            pltpu.SemaphoreType.DMA,
            pltpu.SemaphoreType.DMA,
        ],
    )
    def combine_sc(expo_hbm, pos0_hbm, pos1_hbm, c0_hbm, c1_hbm,
                   idx0_v, idx1_v, rows0_v, rows1_v, sem0, sem1):
        wid = lax.axis_index("s") * 2 + lax.axis_index("c")
        base = wid * TPW
        pltpu.sync_copy(pos0_hbm.at[pl.ds(base, TPW)], idx0_v)
        pltpu.sync_copy(pos1_hbm.at[pl.ds(base, TPW)], idx1_v)
        g0 = pltpu.async_copy(expo_hbm.at[idx0_v], rows0_v, sem0)
        g1 = pltpu.async_copy(expo_hbm.at[idx1_v], rows1_v, sem1)
        g0.wait()
        g1.wait()
        pltpu.sync_copy(rows0_v, c0_hbm.at[pl.ds(base, TPW)])
        pltpu.sync_copy(rows1_v, c1_hbm.at[pl.ds(base, TPW)])

    return dispatch_sc, combine_sc


def _final_kernel(c0_ref, c1_ref, g1_ref, g2_ref, y_ref):
    s = g1_ref[...] * c0_ref[...] + g2_ref[...] * c1_ref[...]
    y_ref[...] = jnp.log(jnp.where(s == 0.0, EPS, s))


def _final_call(c0, c1, g1, g2):
    nb = 8
    blk = N // nb
    return pl.pallas_call(
        _final_kernel,
        grid=(nb,),
        in_specs=[
            pl.BlockSpec((blk, D), lambda i: (i, 0)),
            pl.BlockSpec((blk, D), lambda i: (i, 0)),
            pl.BlockSpec((blk, 1), lambda i: (i, 0)),
            pl.BlockSpec((blk, 1), lambda i: (i, 0)),
        ],
        out_specs=pl.BlockSpec((blk, D), lambda i: (i, 0)),
        out_shape=jax.ShapeDtypeStruct((N, D), jnp.float32),
    )(c0, c1, g1, g2)


def kernel(x, loss_coef, w_gate, expert_W, expert_b):
    coef = loss_coef.reshape(1, 1)
    pos0, pos1, g1, g2, steps, loss = _router_call(x, coef, w_gate.T)
    dispatch_sc, combine_sc = _sc_kernels()
    xs = dispatch_sc(x, pos0, pos1)
    expo = _gmm_call(steps, xs, expert_W, expert_b)
    c0, c1 = combine_sc(expo, pos0, pos1)
    y = _final_call(c0, c1, g1, g2)
    return y, loss[0, 0]

# --- scband reference (transcript-rebuilt; emitter-appended) ---
"""Pipeline reference for scband-mo-e-51445118271909 (READ-ONLY COPY).

The authoritative reference and input builder live on the scoring server;
editing this copy changes nothing except your own understanding.
"""

import jax, jax.numpy as jnp
import numpy as np

N = 2048
D = 768
E = 64
TOP_K = 2


def setup_inputs(seed: int = 0) -> dict:
    key = jax.random.key(seed)
    ks = jax.random.split(key, 4)
    x = jax.random.normal(ks[0], (N, 1, D), dtype=jnp.float32)
    loss_coef = jnp.ones((), dtype=jnp.float32)
    # learned params (module inits w_gate to zeros; we use a trained-like state so routing is nontrivial)
    w_gate = jax.random.normal(ks[1], (D, E), dtype=jnp.float32) * 0.02
    expert_W = jax.random.normal(ks[2], (E, D, D), dtype=jnp.float32) * 0.02
    expert_b = jnp.zeros((E, D), dtype=jnp.float32)
    return {"x": x, "loss_coef": loss_coef, "w_gate": w_gate, "expert_W": expert_W, "expert_b": expert_b}


def _cv2(v):
    v = v.astype(jnp.float32)
    return jnp.var(v, ddof=1) / (jnp.mean(v) ** 2 + 1e-10)


def reference(x, loss_coef, w_gate, expert_W, expert_b):
    n = x.shape[0]
    flat = x.reshape(n, -1)
    logits = flat @ w_gate
    e_total = w_gate.shape[1]
    k = TOP_K
    top_logits, top_idx = jax.lax.top_k(logits, min(k + 1, e_total))
    top_k_logits = top_logits[:, :k]
    top_k_idx = top_idx[:, :k]
    gates_k = jax.nn.softmax(top_k_logits, axis=1)
    rows = jnp.arange(n)[:, None]
    gates = jnp.zeros_like(logits).at[rows, top_k_idx].set(gates_k)
    load = (gates > 0).sum(axis=0)
    importance = gates.sum(axis=0)
    balancing_loss = (_cv2(importance) + _cv2(load)) * loss_coef
    # sparse dispatch (gather rows per expert), expert MLPs, then combine via scatter-add
    d_out = expert_W.shape[2]
    combined = jnp.zeros((n, d_out), dtype=jnp.float32)
    for e in range(e_total):
        mask = (top_k_idx == e).any(axis=1)
        out = flat @ expert_W[e] + expert_b[e]
        contrib = jnp.exp(out) * gates[:, e][:, None]  # combine: exp then gate-weight
        combined = combined + jnp.where(mask[:, None], contrib, 0.0)  # index_add
    combined = jnp.where(combined == 0.0, 2.220446049250313e-16, combined)
    y = jnp.log(combined)
    return y, balancing_loss

if __name__ == "__main__":
    import jax
    _d = setup_inputs()
    print(jax.jit(kernel)(*tuple(_d.values())))

</pallas_src>

<mosaic_0001>
#map = affine_map<(d0, d1) -> (0, 0, 0)>
#map1 = affine_map<(d0, d1) -> (0)>
#map2 = affine_map<(d0, d1) -> (0, 0)>
module attributes {stable_mosaic.version = 14 : i64} {
  func.func @dispatch_sc(%arg0: i32, %arg1: i32, %arg2: memref<2048x1x768xf32, #tpu.memory_space<hbm>>, %arg3: memref<2048xi32, #tpu.memory_space<hbm>>, %arg4: memref<2048xi32, #tpu.memory_space<hbm>>, %arg5: memref<4096x768xf32, #tpu.memory_space<hbm>>, %arg6: memref<64xi32, #tpu.memory_space<vmem>>, %arg7: memref<64xi32, #tpu.memory_space<vmem>>, %arg8: memref<64x768xf32, #tpu.memory_space<vmem>>, %arg9: memref<!tpu.dma_semaphore, #tpu.memory_space<semaphore_mem>>, %arg10: memref<!tpu.dma_semaphore, #tpu.memory_space<semaphore_mem>>) attributes {dimension_semantics = [#tpu.dimension_semantics<core_parallel>, #tpu.dimension_semantics<subcore_parallel>], iteration_bounds = array<i64: 2, 16>, scalar_prefetch = 0 : i64, scratch_operands = 5 : i64, tpu.core_type = #tpu.core_type<sc_vector_subcore>, window_params = [{transform_indices = #map}, {transform_indices = #map1}, {transform_indices = #map1}, {transform_indices = #map2}]} {
    %mul3A = arith.constant 2 : i32
    %mul3A_0 = arith.muli %arg1, %mul3A : i32
    %add3A = arith.addi %mul3A_0, %arg0 : i32
    %mul3A_1 = arith.constant 64 : i32
    %mul3A_2 = arith.muli %add3A, %mul3A_1 : i32
    "tpu.region"() ({
      %run_scoped3A_13 = tpu.sem_alloc : memref<!tpu.dma_semaphore, #tpu.memory_space<semaphore_mem>>
      %dma_start3A_14 = tpu.memref_slice %arg3[%mul3A_2] : memref<2048xi32, #tpu.memory_space<hbm>> -> memref<64xi32, #tpu.memory_space<hbm>>
      %dma_start3A_15 = tpu.memref_slice %arg3[%mul3A_2] : memref<2048xi32, #tpu.memory_space<hbm>> -> memref<64xi32, #tpu.memory_space<hbm>>
      tpu.enqueue_dma source(%dma_start3A_15 : memref<64xi32, #tpu.memory_space<hbm>>) target(%arg6 : memref<64xi32, #tpu.memory_space<vmem>>) target_semaphore(%run_scoped3A_13 : memref<!tpu.dma_semaphore, #tpu.memory_space<semaphore_mem>>)
      %dma_wait3A_16 = tpu.memref_slice %arg3[%mul3A_2] : memref<2048xi32, #tpu.memory_space<hbm>> -> memref<64xi32, #tpu.memory_space<hbm>>
      %dma_wait3A_17 = tpu.memref_slice %arg3[%mul3A_2] : memref<2048xi32, #tpu.memory_space<hbm>> -> memref<64xi32, #tpu.memory_space<hbm>>
      tpu.wait_dma2 semaphore(%run_scoped3A_13 : memref<!tpu.dma_semaphore, #tpu.memory_space<semaphore_mem>>) src(%dma_wait3A_17 : memref<64xi32, #tpu.memory_space<hbm>>) dst(%arg6 : memref<64xi32, #tpu.memory_space<vmem>>)
      tpu.yield
    }) : () -> ()
    "tpu.region"() ({
      %run_scoped3A_13 = tpu.sem_alloc : memref<!tpu.dma_semaphore, #tpu.memory_space<semaphore_mem>>
      %dma_start3A_14 = tpu.memref_slice %arg4[%mul3A_2] : memref<2048xi32, #tpu.memory_space<hbm>> -> memref<64xi32, #tpu.memory_space<hbm>>
      %dma_start3A_15 = tpu.memref_slice %arg4[%mul3A_2] : memref<2048xi32, #tpu.memory_space<hbm>> -> memref<64xi32, #tpu.memory_space<hbm>>
      tpu.enqueue_dma source(%dma_start3A_15 : memref<64xi32, #tpu.memory_space<hbm>>) target(%arg7 : memref<64xi32, #tpu.memory_space<vmem>>) target_semaphore(%run_scoped3A_13 : memref<!tpu.dma_semaphore, #tpu.memory_space<semaphore_mem>>)
      %dma_wait3A_16 = tpu.memref_slice %arg4[%mul3A_2] : memref<2048xi32, #tpu.memory_space<hbm>> -> memref<64xi32, #tpu.memory_space<hbm>>
      %dma_wait3A_17 = tpu.memref_slice %arg4[%mul3A_2] : memref<2048xi32, #tpu.memory_space<hbm>> -> memref<64xi32, #tpu.memory_space<hbm>>
      tpu.wait_dma2 semaphore(%run_scoped3A_13 : memref<!tpu.dma_semaphore, #tpu.memory_space<semaphore_mem>>) src(%dma_wait3A_17 : memref<64xi32, #tpu.memory_space<hbm>>) dst(%arg7 : memref<64xi32, #tpu.memory_space<vmem>>)
      tpu.yield
    }) : () -> ()
    %run_scoped3A = arith.constant 0 : i32
    "tpu.region"() ({
      %run_scoped3A_13 = tpu.sem_alloc : memref<!tpu.dma_semaphore, #tpu.memory_space<semaphore_mem>>
      %dma_start3A_14 = arith.constant 0 : i32
      %dma_start3A_15 = tpu.memref_slice %arg2[%mul3A_2, %run_scoped3A, %dma_start3A_14] : memref<2048x1x768xf32, #tpu.memory_space<hbm>> -> memref<64x1x768xf32, #tpu.memory_space<hbm>>
      %dma_start3A_16 = tpu.memref_squeeze %dma_start3A_15 : memref<64x1x768xf32, #tpu.memory_space<hbm>> -> memref<64x768xf32, #tpu.memory_space<hbm>>
      %dma_start3A_17 = arith.constant 0 : i32
      %dma_start3A_18 = tpu.memref_slice %arg2[%mul3A_2, %run_scoped3A, %dma_start3A_17] : memref<2048x1x768xf32, #tpu.memory_space<hbm>> -> memref<64x1x768xf32, #tpu.memory_space<hbm>>
      %dma_start3A_19 = tpu.memref_squeeze %dma_start3A_18 : memref<64x1x768xf32, #tpu.memory_space<hbm>> -> memref<64x768xf32, #tpu.memory_space<hbm>>
      tpu.enqueue_dma source(%dma_start3A_19 : memref<64x768xf32, #tpu.memory_space<hbm>>) target(%arg8 : memref<64x768xf32, #tpu.memory_space<vmem>>) target_semaphore(%run_scoped3A_13 : memref<!tpu.dma_semaphore, #tpu.memory_space<semaphore_mem>>)
      %dma_wait3A_20 = arith.constant 0 : i32
      %dma_wait3A_21 = tpu.memref_slice %arg2[%mul3A_2, %run_scoped3A, %dma_wait3A_20] : memref<2048x1x768xf32, #tpu.memory_space<hbm>> -> memref<64x1x768xf32, #tpu.memory_space<hbm>>
      %dma_wait3A_22 = tpu.memref_squeeze %dma_wait3A_21 : memref<64x1x768xf32, #tpu.memory_space<hbm>> -> memref<64x768xf32, #tpu.memory_space<hbm>>
      %dma_wait3A_23 = arith.constant 0 : i32
      %dma_wait3A_24 = tpu.memref_slice %arg2[%mul3A_2, %run_scoped3A, %dma_wait3A_23] : memref<2048x1x768xf32, #tpu.memory_space<hbm>> -> memref<64x1x768xf32, #tpu.memory_space<hbm>>
      %dma_wait3A_25 = tpu.memref_squeeze %dma_wait3A_24 : memref<64x1x768xf32, #tpu.memory_space<hbm>> -> memref<64x768xf32, #tpu.memory_space<hbm>>
      tpu.wait_dma2 semaphore(%run_scoped3A_13 : memref<!tpu.dma_semaphore, #tpu.memory_space<semaphore_mem>>) src(%dma_wait3A_25 : memref<64x768xf32, #tpu.memory_space<hbm>>) dst(%arg8 : memref<64x768xf32, #tpu.memory_space<vmem>>)
      tpu.yield
    }) : () -> ()
    %dma_start3A = arith.constant 0 : i32
    %dma_start3A_3 = arith.constant 0 : i32
    %dma_start3A_4 = tpu.memref_slice %arg5[%dma_start3A, %dma_start3A_3] : memref<4096x768xf32, #tpu.memory_space<hbm>> -> memref<4096x768xf32, #tpu.memory_space<hbm>>
    tpu.enqueue_indirect_dma source(%arg8 : memref<64x768xf32, #tpu.memory_space<vmem>>) target(%dma_start3A_4 : memref<4096x768xf32, #tpu.memory_space<hbm>>) offsets(%arg6 : memref<64xi32, #tpu.memory_space<vmem>>) semaphore(%arg9 : memref<!tpu.dma_semaphore, #tpu.memory_space<semaphore_mem>>)
    %dma_start3A_5 = arith.constant 0 : i32
    %dma_start3A_6 = arith.constant 0 : i32
    %dma_start3A_7 = tpu.memref_slice %arg5[%dma_start3A_5, %dma_start3A_6] : memref<4096x768xf32, #tpu.memory_space<hbm>> -> memref<4096x768xf32, #tpu.memory_space<hbm>>
    tpu.enqueue_indirect_dma source(%arg8 : memref<64x768xf32, #tpu.memory_space<vmem>>) target(%dma_start3A_7 : memref<4096x768xf32, #tpu.memory_space<hbm>>) offsets(%arg7 : memref<64xi32, #tpu.memory_space<vmem>>) semaphore(%arg10 : memref<!tpu.dma_semaphore, #tpu.memory_space<semaphore_mem>>)
    %dma_wait3A = arith.constant 0 : i32
    %dma_wait3A_8 = arith.constant 0 : i32
    %dma_wait3A_9 = tpu.memref_slice %arg5[%dma_wait3A, %dma_wait3A_8] : memref<4096x768xf32, #tpu.memory_space<hbm>> -> memref<4096x768xf32, #tpu.memory_space<hbm>>
    tpu.wait_indirect_dma semaphore(%arg9 : memref<!tpu.dma_semaphore, #tpu.memory_space<semaphore_mem>>) src(%arg8 : memref<64x768xf32, #tpu.memory_space<vmem>>) dst(%dma_wait3A_9 : memref<4096x768xf32, #tpu.memory_space<hbm>>)
    %dma_wait3A_10 = arith.constant 0 : i32
    %dma_wait3A_11 = arith.constant 0 : i32
    %dma_wait3A_12 = tpu.memref_slice %arg5[%dma_wait3A_10, %dma_wait3A_11] : memref<4096x768xf32, #tpu.memory_space<hbm>> -> memref<4096x768xf32, #tpu.memory_space<hbm>>
    tpu.wait_indirect_dma semaphore(%arg10 : memref<!tpu.dma_semaphore, #tpu.memory_space<semaphore_mem>>) src(%arg8 : memref<64x768xf32, #tpu.memory_space<vmem>>) dst(%dma_wait3A_12 : memref<4096x768xf32, #tpu.memory_space<hbm>>)
    return
  }
}

#map = affine_map<(d0, d1) -> (0, 0)>
#map1 = affine_map<(d0, d1) -> (0)>
module attributes {stable_mosaic.version = 14 : i64} {
  func.func @combine_sc(%arg0: i32, %arg1: i32, %arg2: memref<4096x768xf32, #tpu.memory_space<hbm>>, %arg3: memref<2048xi32, #tpu.memory_space<hbm>>, %arg4: memref<2048xi32, #tpu.memory_space<hbm>>, %arg5: memref<2048x768xf32, #tpu.memory_space<hbm>>, %arg6: memref<2048x768xf32, #tpu.memory_space<hbm>>, %arg7: memref<64xi32, #tpu.memory_space<vmem>>, %arg8: memref<64xi32, #tpu.memory_space<vmem>>, %arg9: memref<64x768xf32, #tpu.memory_space<vmem>>, %arg10: memref<64x768xf32, #tpu.memory_space<vmem>>, %arg11: memref<!tpu.dma_semaphore, #tpu.memory_space<semaphore_mem>>, %arg12: memref<!tpu.dma_semaphore, #tpu.memory_space<semaphore_mem>>) attributes {dimension_semantics = [#tpu.dimension_semantics<core_parallel>, #tpu.dimension_semantics<subcore_parallel>], iteration_bounds = array<i64: 2, 16>, scalar_prefetch = 0 : i64, scratch_operands = 6 : i64, tpu.core_type = #tpu.core_type<sc_vector_subcore>, window_params = [{transform_indices = #map}, {transform_indices = #map1}, {transform_indices = #map1}, {transform_indices = #map}, {transform_indices = #map}]} {
    %mul3A = arith.constant 2 : i32
    %mul3A_0 = arith.muli %arg1, %mul3A : i32
    %add3A = arith.addi %mul3A_0, %arg0 : i32
    %mul3A_1 = arith.constant 64 : i32
    %mul3A_2 = arith.muli %add3A, %mul3A_1 : i32
    "tpu.region"() ({
      %run_scoped3A = tpu.sem_alloc : memref<!tpu.dma_semaphore, #tpu.memory_space<semaphore_mem>>
      %dma_start3A_13 = tpu.memref_slice %arg3[%mul3A_2] : memref<2048xi32, #tpu.memory_space<hbm>> -> memref<64xi32, #tpu.memory_space<hbm>>
      %dma_start3A_14 = tpu.memref_slice %arg3[%mul3A_2] : memref<2048xi32, #tpu.memory_space<hbm>> -> memref<64xi32, #tpu.memory_space<hbm>>
      tpu.enqueue_dma source(%dma_start3A_14 : memref<64xi32, #tpu.memory_space<hbm>>) target(%arg7 : memref<64xi32, #tpu.memory_space<vmem>>) target_semaphore(%run_scoped3A : memref<!tpu.dma_semaphore, #tpu.memory_space<semaphore_mem>>)
      %dma_wait3A_15 = tpu.memref_slice %arg3[%mul3A_2] : memref<2048xi32, #tpu.memory_space<hbm>> -> memref<64xi32, #tpu.memory_space<hbm>>
      %dma_wait3A_16 = tpu.memref_slice %arg3[%mul3A_2] : memref<2048xi32, #tpu.memory_space<hbm>> -> memref<64xi32, #tpu.memory_space<hbm>>
      tpu.wait_dma2 semaphore(%run_scoped3A : memref<!tpu.dma_semaphore, #tpu.memory_space<semaphore_mem>>) src(%dma_wait3A_16 : memref<64xi32, #tpu.memory_space<hbm>>) dst(%arg7 : memref<64xi32, #tpu.memory_space<vmem>>)
      tpu.yield
    }) : () -> ()
    "tpu.region"() ({
      %run_scoped3A = tpu.sem_alloc : memref<!tpu.dma_semaphore, #tpu.memory_space<semaphore_mem>>
      %dma_start3A_13 = tpu.memref_slice %arg4[%mul3A_2] : memref<2048xi32, #tpu.memory_space<hbm>> -> memref<64xi32, #tpu.memory_space<hbm>>
      %dma_start3A_14 = tpu.memref_slice %arg4[%mul3A_2] : memref<2048xi32, #tpu.memory_space<hbm>> -> memref<64xi32, #tpu.memory_space<hbm>>
      tpu.enqueue_dma source(%dma_start3A_14 : memref<64xi32, #tpu.memory_space<hbm>>) target(%arg8 : memref<64xi32, #tpu.memory_space<vmem>>) target_semaphore(%run_scoped3A : memref<!tpu.dma_semaphore, #tpu.memory_space<semaphore_mem>>)
      %dma_wait3A_15 = tpu.memref_slice %arg4[%mul3A_2] : memref<2048xi32, #tpu.memory_space<hbm>> -> memref<64xi32, #tpu.memory_space<hbm>>
      %dma_wait3A_16 = tpu.memref_slice %arg4[%mul3A_2] : memref<2048xi32, #tpu.memory_space<hbm>> -> memref<64xi32, #tpu.memory_space<hbm>>
      tpu.wait_dma2 semaphore(%run_scoped3A : memref<!tpu.dma_semaphore, #tpu.memory_space<semaphore_mem>>) src(%dma_wait3A_16 : memref<64xi32, #tpu.memory_space<hbm>>) dst(%arg8 : memref<64xi32, #tpu.memory_space<vmem>>)
      tpu.yield
    }) : () -> ()
    %dma_start3A = arith.constant 0 : i32
    %dma_start3A_3 = arith.constant 0 : i32
    %dma_start3A_4 = tpu.memref_slice %arg2[%dma_start3A, %dma_start3A_3] : memref<4096x768xf32, #tpu.memory_space<hbm>> -> memref<4096x768xf32, #tpu.memory_space<hbm>>
    tpu.enqueue_indirect_dma source(%dma_start3A_4 : memref<4096x768xf32, #tpu.memory_space<hbm>>) target(%arg9 : memref<64x768xf32, #tpu.memory_space<vmem>>) offsets(%arg7 : memref<64xi32, #tpu.memory_space<vmem>>) semaphore(%arg11 : memref<!tpu.dma_semaphore, #tpu.memory_space<semaphore_mem>>)
    %dma_start3A_5 = arith.constant 0 : i32
    %dma_start3A_6 = arith.constant 0 : i32
    %dma_start3A_7 = tpu.memref_slice %arg2[%dma_start3A_5, %dma_start3A_6] : memref<4096x768xf32, #tpu.memory_space<hbm>> -> memref<4096x768xf32, #tpu.memory_space<hbm>>
    tpu.enqueue_indirect_dma source(%dma_start3A_7 : memref<4096x768xf32, #tpu.memory_space<hbm>>) target(%arg10 : memref<64x768xf32, #tpu.memory_space<vmem>>) offsets(%arg8 : memref<64xi32, #tpu.memory_space<vmem>>) semaphore(%arg12 : memref<!tpu.dma_semaphore, #tpu.memory_space<semaphore_mem>>)
    %dma_wait3A = arith.constant 0 : i32
    %dma_wait3A_8 = arith.constant 0 : i32
    %dma_wait3A_9 = tpu.memref_slice %arg2[%dma_wait3A, %dma_wait3A_8] : memref<4096x768xf32, #tpu.memory_space<hbm>> -> memref<4096x768xf32, #tpu.memory_space<hbm>>
    tpu.wait_indirect_dma semaphore(%arg11 : memref<!tpu.dma_semaphore, #tpu.memory_space<semaphore_mem>>) src(%dma_wait3A_9 : memref<4096x768xf32, #tpu.memory_space<hbm>>) dst(%arg9 : memref<64x768xf32, #tpu.memory_space<vmem>>)
    %dma_wait3A_10 = arith.constant 0 : i32
    %dma_wait3A_11 = arith.constant 0 : i32
    %dma_wait3A_12 = tpu.memref_slice %arg2[%dma_wait3A_10, %dma_wait3A_11] : memref<4096x768xf32, #tpu.memory_space<hbm>> -> memref<4096x768xf32, #tpu.memory_space<hbm>>
    tpu.wait_indirect_dma semaphore(%arg12 : memref<!tpu.dma_semaphore, #tpu.memory_space<semaphore_mem>>) src(%dma_wait3A_12 : memref<4096x768xf32, #tpu.memory_space<hbm>>) dst(%arg10 : memref<64x768xf32, #tpu.memory_space<vmem>>)
    "tpu.region"() ({
      %run_scoped3A = tpu.sem_alloc : memref<!tpu.dma_semaphore, #tpu.memory_space<semaphore_mem>>
      %dma_start3A_13 = arith.constant 0 : i32
      %dma_start3A_14 = tpu.memref_slice %arg5[%mul3A_2, %dma_start3A_13] : memref<2048x768xf32, #tpu.memory_space<hbm>> -> memref<64x768xf32, #tpu.memory_space<hbm>>
      %dma_start3A_15 = arith.constant 0 : i32
      %dma_start3A_16 = tpu.memref_slice %arg5[%mul3A_2, %dma_start3A_15] : memref<2048x768xf32, #tpu.memory_space<hbm>> -> memref<64x768xf32, #tpu.memory_space<hbm>>
      tpu.enqueue_dma source(%arg9 : memref<64x768xf32, #tpu.memory_space<vmem>>) target(%dma_start3A_16 : memref<64x768xf32, #tpu.memory_space<hbm>>) target_semaphore(%run_scoped3A : memref<!tpu.dma_semaphore, #tpu.memory_space<semaphore_mem>>)
      %dma_wait3A_17 = arith.constant 0 : i32
      %dma_wait3A_18 = tpu.memref_slice %arg5[%mul3A_2, %dma_wait3A_17] : memref<2048x768xf32, #tpu.memory_space<hbm>> -> memref<64x768xf32, #tpu.memory_space<hbm>>
      %dma_wait3A_19 = arith.constant 0 : i32
      %dma_wait3A_20 = tpu.memref_slice %arg5[%mul3A_2, %dma_wait3A_19] : memref<2048x768xf32, #tpu.memory_space<hbm>> -> memref<64x768xf32, #tpu.memory_space<hbm>>
      tpu.wait_dma2 semaphore(%run_scoped3A : memref<!tpu.dma_semaphore, #tpu.memory_space<semaphore_mem>>) src(%arg9 : memref<64x768xf32, #tpu.memory_space<vmem>>) dst(%dma_wait3A_20 : memref<64x768xf32, #tpu.memory_space<hbm>>)
      tpu.yield
    }) : () -> ()
    "tpu.region"() ({
      %run_scoped3A = tpu.sem_alloc : memref<!tpu.dma_semaphore, #tpu.memory_space<semaphore_mem>>
      %dma_start3A_13 = arith.constant 0 : i32
      %dma_start3A_14 = tpu.memref_slice %arg6[%mul3A_2, %dma_start3A_13] : memref<2048x768xf32, #tpu.memory_space<hbm>> -> memref<64x768xf32, #tpu.memory_space<hbm>>
      %dma_start3A_15 = arith.constant 0 : i32
      %dma_start3A_16 = tpu.memref_slice %arg6[%mul3A_2, %dma_start3A_15] : memref<2048x768xf32, #tpu.memory_space<hbm>> -> memref<64x768xf32, #tpu.memory_space<hbm>>
      tpu.enqueue_dma source(%arg10 : memref<64x768xf32, #tpu.memory_space<vmem>>) target(%dma_start3A_16 : memref<64x768xf32, #tpu.memory_space<hbm>>) target_semaphore(%run_scoped3A : memref<!tpu.dma_semaphore, #tpu.memory_space<semaphore_mem>>)
      %dma_wait3A_17 = arith.constant 0 : i32
      %dma_wait3A_18 = tpu.memref_slice %arg6[%mul3A_2, %dma_wait3A_17] : memref<2048x768xf32, #tpu.memory_space<hbm>> -> memref<64x768xf32, #tpu.memory_space<hbm>>
      %dma_wait3A_19 = arith.constant 0 : i32
      %dma_wait3A_20 = tpu.memref_slice %arg6[%mul3A_2, %dma_wait3A_19] : memref<2048x768xf32, #tpu.memory_space<hbm>> -> memref<64x768xf32, #tpu.memory_space<hbm>>
      tpu.wait_dma2 semaphore(%run_scoped3A : memref<!tpu.dma_semaphore, #tpu.memory_space<semaphore_mem>>) src(%arg10 : memref<64x768xf32, #tpu.memory_space<vmem>>) dst(%dma_wait3A_20 : memref<64x768xf32, #tpu.memory_space<hbm>>)
      tpu.yield
    }) : () -> ()
    return
  }
}

module attributes {stable_mosaic.version = 14 : i64} {
  func.func @_final_kernel(%arg0: i32, %arg1: memref<256x768xf32, #tpu.memory_space<vmem>>, %arg2: memref<256x768xf32, #tpu.memory_space<vmem>>, %arg3: memref<256x1xf32, #tpu.memory_space<vmem>>, %arg4: memref<256x1xf32, #tpu.memory_space<vmem>>, %arg5: memref<256x768xf32, #tpu.memory_space<vmem>>) attributes {dimension_semantics = [#tpu.dimension_semantics<arbitrary>], iteration_bounds = array<i64: 8>, scalar_prefetch = 0 : i64, scratch_operands = 0 : i64, tpu.core_type = #tpu.core_type<tc>, window_params = [{transform_indices = @transform_0, window_bounds = array<i64: 256, 768>}, {transform_indices = @transform_1, window_bounds = array<i64: 256, 768>}, {transform_indices = @transform_2, window_bounds = array<i64: 256, 1>}, {transform_indices = @transform_3, window_bounds = array<i64: 256, 1>}, {transform_indices = @transform_4, window_bounds = array<i64: 256, 768>}]} {
    %get3A = arith.constant 0 : index
    %get3A_0 = arith.constant 0 : index
    %get3A_1 = vector.load %arg3[%get3A, %get3A_0] : memref<256x1xf32, #tpu.memory_space<vmem>>, vector<256x1xf32>
    %get3A_2 = arith.constant 0 : index
    %get3A_3 = arith.constant 0 : index
    %get3A_4 = vector.load %arg1[%get3A_2, %get3A_3] : memref<256x768xf32, #tpu.memory_space<vmem>>, vector<256x768xf32>
    %mul3A = vector.broadcast %get3A_1 : vector<256x1xf32> to vector<256x768xf32>
    %mul3A_5 = arith.mulf %mul3A, %get3A_4 : vector<256x768xf32>
    %get3A_6 = arith.constant 0 : index
    %get3A_7 = arith.constant 0 : index
    %get3A_8 = vector.load %arg4[%get3A_6, %get3A_7] : memref<256x1xf32, #tpu.memory_space<vmem>>, vector<256x1xf32>
    %get3A_9 = arith.constant 0 : index
    %get3A_10 = arith.constant 0 : index
    %get3A_11 = vector.load %arg2[%get3A_9, %get3A_10] : memref<256x768xf32, #tpu.memory_space<vmem>>, vector<256x768xf32>
    %mul3A_12 = vector.broadcast %get3A_8 : vector<256x1xf32> to vector<256x768xf32>
    %mul3A_13 = arith.mulf %mul3A_12, %get3A_11 : vector<256x768xf32>
    %add3A = arith.addf %mul3A_5, %mul3A_13 : vector<256x768xf32>
    %eq3A = arith.constant 0.000000e+00 : f32
    %eq3A_14 = vector.broadcast %eq3A : f32 to vector<256x768xf32>
    %eq3A_15 = arith.cmpf oeq, %add3A, %eq3A_14 : vector<256x768xf32>
    %jit3A = arith.constant 2.22044605E-16 : f32
    %broadcast_in_dim3A = vector.broadcast %jit3A : f32 to vector<256x768xf32>
    %select_n3A = arith.select %eq3A_15, %broadcast_in_dim3A, %add3A : vector<256x768xi1>, vector<256x768xf32>
    %log3A = math.log %select_n3A : vector<256x768xf32>
    %swap3A = arith.constant 0 : index
    %swap3A_16 = arith.constant 0 : index
    %swap3A_17 = vector.load %arg5[%swap3A, %swap3A_16] : memref<256x768xf32, #tpu.memory_space<vmem>>, vector<256x768xf32>
    tpu.vector_store %arg5[%swap3A, %swap3A_16], %log3A {strides = array<i32>} : memref<256x768xf32, #tpu.memory_space<vmem>>, vector<256x768xf32>,
    return
  }
  func.func @transform_0(%arg0: i32) -> (i32, i32) {
    %c0_i32 = arith.constant 0 : i32
    %c0_i32_0 = arith.constant 0 : i32
    return %arg0, %c0_i32 : i32, i32
  }
  func.func @transform_1(%arg0: i32) -> (i32, i32) {
    %c0_i32 = arith.constant 0 : i32
    %c0_i32_0 = arith.constant 0 : i32
    return %arg0, %c0_i32 : i32, i32
  }
  func.func @transform_2(%arg0: i32) -> (i32, i32) {
    %c0_i32 = arith.constant 0 : i32
    %c0_i32_0 = arith.constant 0 : i32
    return %arg0, %c0_i32 : i32, i32
  }
  func.func @transform_3(%arg0: i32) -> (i32, i32) {
    %c0_i32 = arith.constant 0 : i32
    %c0_i32_0 = arith.constant 0 : i32
    return %arg0, %c0_i32 : i32, i32
  }
  func.func @transform_4(%arg0: i32) -> (i32, i32) {
    %c0_i32 = arith.constant 0 : i32
    %c0_i32_0 = arith.constant 0 : i32
    return %arg0, %c0_i32 : i32, i32
  }
}

module attributes {stable_mosaic.version = 14 : i64} {
  func.func @_router_kernel(%arg0: memref<2048x1x768xf32, #tpu.memory_space<hbm>>, %arg1: memref<64x768xf32, #tpu.memory_space<vmem>>, %arg2: memref<1x1xf32, #tpu.memory_space<smem>>, %arg3: memref<2048xi32, #tpu.memory_space<vmem>>, %arg4: memref<2048xi32, #tpu.memory_space<vmem>>, %arg5: memref<2048x1xf32, #tpu.memory_space<vmem>>, %arg6: memref<2048x1xf32, #tpu.memory_space<vmem>>, %arg7: memref<79x8xi32, #tpu.memory_space<vmem>>, %arg8: memref<1x1xf32, #tpu.memory_space<smem>>, %arg9: memref<2048x1xi32, #tpu.memory_space<vmem>>, %arg10: memref<2048x1xi32, #tpu.memory_space<vmem>>, %arg11: memref<2048x768xf32, #tpu.memory_space<vmem>>, %arg12: memref<!tpu.dma_semaphore, #tpu.memory_space<semaphore_mem>>) attributes {dimension_semantics = [], scalar_prefetch = 0 : i64, scratch_operands = 4 : i64, tpu.core_type = #tpu.core_type<tc>} {
    %dma_start3A = arith.constant 0 : i32
    %dma_start3A_0 = arith.constant 0 : i32
    %dma_start3A_1 = arith.constant 0 : i32
    %dma_start3A_2 = tpu.memref_slice %arg0[%dma_start3A_0, %dma_start3A, %dma_start3A_1] : memref<2048x1x768xf32, #tpu.memory_space<hbm>> -> memref<2048x1x768xf32, #tpu.memory_space<hbm>>
    %dma_start3A_3 = tpu.memref_squeeze %dma_start3A_2 : memref<2048x1x768xf32, #tpu.memory_space<hbm>> -> memref<2048x768xf32, #tpu.memory_space<hbm>>
    tpu.enqueue_dma source(%dma_start3A_3 : memref<2048x768xf32, #tpu.memory_space<hbm>>) target(%arg11 : memref<2048x768xf32, #tpu.memory_space<vmem>>) target_semaphore(%arg12 : memref<!tpu.dma_semaphore, #tpu.memory_space<semaphore_mem>>)
    %dma_wait3A = arith.constant 0 : i32
    %dma_wait3A_4 = arith.constant 0 : i32
    %dma_wait3A_5 = arith.constant 0 : i32
    %dma_wait3A_6 = tpu.memref_slice %arg0[%dma_wait3A_4, %dma_wait3A, %dma_wait3A_5] : memref<2048x1x768xf32, #tpu.memory_space<hbm>> -> memref<2048x1x768xf32, #tpu.memory_space<hbm>>
    %dma_wait3A_7 = tpu.memref_squeeze %dma_wait3A_6 : memref<2048x1x768xf32, #tpu.memory_space<hbm>> -> memref<2048x768xf32, #tpu.memory_space<hbm>>
    tpu.wait_dma2 semaphore(%arg12 : memref<!tpu.dma_semaphore, #tpu.memory_space<semaphore_mem>>) src(%dma_wait3A_7 : memref<2048x768xf32, #tpu.memory_space<hbm>>) dst(%arg11 : memref<2048x768xf32, #tpu.memory_space<vmem>>)
    %get3A = arith.constant 0 : index
    %get3A_8 = arith.constant 0 : index
    %get3A_9 = vector.load %arg11[%get3A, %get3A_8] : memref<2048x768xf32, #tpu.memory_space<vmem>>, vector<2048x768xf32>
    %get3A_10 = arith.constant 0 : index
    %get3A_11 = arith.constant 0 : index
    %get3A_12 = vector.load %arg1[%get3A_10, %get3A_11] : memref<64x768xf32, #tpu.memory_space<vmem>>, vector<64x768xf32>
    %dot_general3A = arith.constant dense<0.000000e+00> : vector<2048x64xf32>
    %dot_general3A_13 = tpu.matmul %get3A_9, %get3A_12, %dot_general3A {dimension_numbers = #tpu.dot_dimension_numbers<[1], [1], [0], [0], [0, 0, 1, 0], [], []>, transpose_lhs_hint = false} : vector<2048x768xf32>, vector<64x768xf32>, vector<2048x64xf32> -> vector<2048x64xf32>
    %iota3A = tpu.iota {dimensions = array<i32: 1>} : vector<2048x64xi32>
    %reduce_max3A = arith.constant dense<0xFF800000> : vector<2048xf32>
    %reduce_max3A_14 = vector.multi_reduction <maximumf>, %dot_general3A_13, %reduce_max3A [1] : vector<2048x64xf32> to vector<2048xf32>
    %broadcast_in_dim3A = vector.shape_cast %reduce_max3A_14 : vector<2048xf32> to vector<2048x1xf32>
    %eq3A = vector.broadcast %broadcast_in_dim3A : vector<2048x1xf32> to vector<2048x64xf32>
    %eq3A_15 = arith.cmpf oeq, %dot_general3A_13, %eq3A : vector<2048x64xf32>
    %jit3A = arith.constant 64 : i32
    %broadcast_in_dim3A_16 = vector.broadcast %jit3A : i32 to vector<2048x64xi32>
    %select_n3A = arith.select %eq3A_15, %iota3A, %broadcast_in_dim3A_16 : vector<2048x64xi1>, vector<2048x64xi32>
    %reduce_min3A = arith.constant dense<2147483647> : vector<2048xi32>
    %reduce_min3A_17 = vector.multi_reduction <minsi>, %select_n3A, %reduce_min3A [1] : vector<2048x64xi32> to vector<2048xi32>
    %broadcast_in_dim3A_18 = vector.shape_cast %reduce_min3A_17 : vector<2048xi32> to vector<2048x1xi32>
    %eq3A_19 = vector.broadcast %broadcast_in_dim3A_18 : vector<2048x1xi32> to vector<2048x64xi32>
    %eq3A_20 = arith.cmpi eq, %iota3A, %eq3A_19 : vector<2048x64xi32>
    %jit3A_21 = arith.constant 0xFF800000 : f32
    %broadcast_in_dim3A_22 = vector.broadcast %jit3A_21 : f32 to vector<2048x64xf32>
    %select_n3A_23 = arith.select %eq3A_20, %broadcast_in_dim3A_22, %dot_general3A_13 : vector<2048x64xi1>, vector<2048x64xf32>
    %reduce_max3A_24 = arith.constant dense<0xFF800000> : vector<2048xf32>
    %reduce_max3A_25 = vector.multi_reduction <maximumf>, %select_n3A_23, %reduce_max3A_24 [1] : vector<2048x64xf32> to vector<2048xf32>
    %broadcast_in_dim3A_26 = vector.shape_cast %reduce_max3A_25 : vector<2048xf32> to vector<2048x1xf32>
    %eq3A_27 = vector.broadcast %broadcast_in_dim3A_26 : vector<2048x1xf32> to vector<2048x64xf32>
    %eq3A_28 = arith.cmpf oeq, %select_n3A_23, %eq3A_27 : vector<2048x64xf32>
    %jit3A_29 = arith.constant 64 : i32
    %broadcast_in_dim3A_30 = vector.broadcast %jit3A_29 : i32 to vector<2048x64xi32>
    %select_n3A_31 = arith.select %eq3A_28, %iota3A, %broadcast_in_dim3A_30 : vector<2048x64xi1>, vector<2048x64xi32>
    %reduce_min3A_32 = arith.constant dense<2147483647> : vector<2048xi32>
    %reduce_min3A_33 = vector.multi_reduction <minsi>, %select_n3A_31, %reduce_min3A_32 [1] : vector<2048x64xi32> to vector<2048xi32>
    %broadcast_in_dim3A_34 = vector.shape_cast %reduce_min3A_33 : vector<2048xi32> to vector<2048x1xi32>
    %sub3A = arith.subf %broadcast_in_dim3A_26, %broadcast_in_dim3A : vector<2048x1xf32>
    %exp3A = math.exp %sub3A : vector<2048x1xf32>
    %add3A = arith.constant 1.000000e+00 : f32
    %add3A_35 = vector.broadcast %add3A : f32 to vector<2048x1xf32>
    %add3A_36 = arith.addf %add3A_35, %exp3A : vector<2048x1xf32>
    %div3A = arith.constant 1.000000e+00 : f32
    %div3A_37 = vector.broadcast %div3A : f32 to vector<2048x1xf32>
    %div3A_38 = arith.divf %div3A_37, %add3A_36 : vector<2048x1xf32>
    %add3A_39 = arith.constant 1.000000e+00 : f32
    %add3A_40 = vector.broadcast %add3A_39 : f32 to vector<2048x1xf32>
    %add3A_41 = arith.addf %add3A_40, %exp3A : vector<2048x1xf32>
    %div3A_42 = arith.divf %exp3A, %add3A_41 : vector<2048x1xf32>
    %swap3A = arith.constant 0 : index
    %swap3A_43 = arith.constant 0 : index
    %swap3A_44 = vector.load %arg5[%swap3A, %swap3A_43] : memref<2048x1xf32, #tpu.memory_space<vmem>>, vector<2048x1xf32>
    tpu.vector_store %arg5[%swap3A, %swap3A_43], %div3A_38 {strides = array<i32>} : memref<2048x1xf32, #tpu.memory_space<vmem>>, vector<2048x1xf32>,
    %swap3A_45 = arith.constant 0 : index
    %swap3A_46 = arith.constant 0 : index
    %swap3A_47 = vector.load %arg6[%swap3A_45, %swap3A_46] : memref<2048x1xf32, #tpu.memory_space<vmem>>, vector<2048x1xf32>
    tpu.vector_store %arg6[%swap3A_45, %swap3A_46], %div3A_42 {strides = array<i32>} : memref<2048x1xf32, #tpu.memory_space<vmem>>, vector<2048x1xf32>,
    %swap3A_48 = arith.constant 0 : index
    %swap3A_49 = arith.constant 0 : index
    %swap3A_50 = vector.load %arg9[%swap3A_48, %swap3A_49] : memref<2048x1xi32, #tpu.memory_space<vmem>>, vector<2048x1xi32>
    tpu.vector_store %arg9[%swap3A_48, %swap3A_49], %broadcast_in_dim3A_18 {strides = array<i32>} : memref<2048x1xi32, #tpu.memory_space<vmem>>, vector<2048x1xi32>,
    %swap3A_51 = arith.constant 0 : index
    %swap3A_52 = arith.constant 0 : index
    %swap3A_53 = vector.load %arg10[%swap3A_51, %swap3A_52] : memref<2048x1xi32, #tpu.memory_space<vmem>>, vector<2048x1xi32>
    tpu.vector_store %arg10[%swap3A_51, %swap3A_52], %broadcast_in_dim3A_34 {strides = array<i32>} : memref<2048x1xi32, #tpu.memory_space<vmem>>, vector<2048x1xi32>,
    %eq3A_54 = vector.broadcast %broadcast_in_dim3A_18 : vector<2048x1xi32> to vector<2048x64xi32>
    %eq3A_55 = arith.cmpi eq, %iota3A, %eq3A_54 : vector<2048x64xi32>
    %convert_element_type3A = arith.extui %eq3A_55 : vector<2048x64xi1> to vector<2048x64xi32>
    %convert_element_type3A_56 = arith.sitofp %convert_element_type3A : vector<2048x64xi32> to vector<2048x64xf32>
    %eq3A_57 = vector.broadcast %broadcast_in_dim3A_34 : vector<2048x1xi32> to vector<2048x64xi32>
    %eq3A_58 = arith.cmpi eq, %iota3A, %eq3A_57 : vector<2048x64xi32>
    %convert_element_type3A_59 = arith.extui %eq3A_58 : vector<2048x64xi1> to vector<2048x64xi32>
    %convert_element_type3A_60 = arith.sitofp %convert_element_type3A_59 : vector<2048x64xi32> to vector<2048x64xf32>
    %reduce_sum3A = arith.constant dense<0.000000e+00> : vector<64xf32>
    %reduce_sum3A_61 = vector.multi_reduction <add>, %convert_element_type3A_56, %reduce_sum3A [0] : vector<2048x64xf32> to vector<64xf32>
    %broadcast_in_dim3A_62 = vector.shape_cast %reduce_sum3A_61 : vector<64xf32> to vector<1x64xf32>
    %reduce_sum3A_63 = arith.constant dense<0.000000e+00> : vector<64xf32>
    %reduce_sum3A_64 = vector.multi_reduction <add>, %convert_element_type3A_60, %reduce_sum3A_63 [0] : vector<2048x64xf32> to vector<64xf32>
    %broadcast_in_dim3A_65 = vector.shape_cast %reduce_sum3A_64 : vector<64xf32> to vector<1x64xf32>
    %add3A_66 = arith.addf %broadcast_in_dim3A_62, %broadcast_in_dim3A_65 : vector<1x64xf32>
    %eq3A_67 = vector.broadcast %broadcast_in_dim3A_18 : vector<2048x1xi32> to vector<2048x64xi32>
    %eq3A_68 = arith.cmpi eq, %iota3A, %eq3A_67 : vector<2048x64xi32>
    %jit3A_69 = arith.constant 0.000000e+00 : f32
    %broadcast_in_dim3A_70 = vector.shape_cast %div3A_38 : vector<2048x1xf32> to vector<2048x1xf32>
    %broadcast_in_dim3A_71 = vector.broadcast %broadcast_in_dim3A_70 : vector<2048x1xf32> to vector<2048x64xf32>
    %broadcast_in_dim3A_72 = vector.broadcast %jit3A_69 : f32 to vector<2048x64xf32>
    %select_n3A_73 = arith.select %eq3A_68, %broadcast_in_dim3A_71, %broadcast_in_dim3A_72 : vector<2048x64xi1>, vector<2048x64xf32>
    %eq3A_74 = vector.broadcast %broadcast_in_dim3A_34 : vector<2048x1xi32> to vector<2048x64xi32>
    %eq3A_75 = arith.cmpi eq, %iota3A, %eq3A_74 : vector<2048x64xi32>
    %jit3A_76 = arith.constant 0.000000e+00 : f32
    %broadcast_in_dim3A_77 = vector.shape_cast %div3A_42 : vector<2048x1xf32> to vector<2048x1xf32>
    %broadcast_in_dim3A_78 = vector.broadcast %broadcast_in_dim3A_77 : vector<2048x1xf32> to vector<2048x64xf32>
    %broadcast_in_dim3A_79 = vector.broadcast %jit3A_76 : f32 to vector<2048x64xf32>
    %select_n3A_80 = arith.select %eq3A_75, %broadcast_in_dim3A_78, %broadcast_in_dim3A_79 : vector<2048x64xi1>, vector<2048x64xf32>
    %add3A_81 = arith.addf %select_n3A_73, %select_n3A_80 : vector<2048x64xf32>
    %reduce_sum3A_82 = arith.constant dense<0.000000e+00> : vector<64xf32>
    %reduce_sum3A_83 = vector.multi_reduction <add>, %add3A_81, %reduce_sum3A_82 [0] : vector<2048x64xf32> to vector<64xf32>
    %broadcast_in_dim3A_84 = vector.shape_cast %reduce_sum3A_83 : vector<64xf32> to vector<1x64xf32>
    %gt3A = arith.constant 0.000000e+00 : f32
    %gt3A_85 = vector.broadcast %gt3A : f32 to vector<2048x64xf32>
    %gt3A_86 = arith.cmpf ogt, %add3A_81, %gt3A_85 : vector<2048x64xf32>
    %convert_element_type3A_87 = arith.extui %gt3A_86 : vector<2048x64xi1> to vector<2048x64xi32>
    %convert_element_type3A_88 = arith.sitofp %convert_element_type3A_87 : vector<2048x64xi32> to vector<2048x64xf32>
    %reduce_sum3A_89 = arith.constant dense<0.000000e+00> : vector<64xf32>
    %reduce_sum3A_90 = vector.multi_reduction <add>, %convert_element_type3A_88, %reduce_sum3A_89 [0] : vector<2048x64xf32> to vector<64xf32>
    %broadcast_in_dim3A_91 = vector.shape_cast %reduce_sum3A_90 : vector<64xf32> to vector<1x64xf32>
    %reduce_sum3A_92 = vector.shape_cast %broadcast_in_dim3A_84 : vector<1x64xf32> to vector<1x1x64xf32>
    %reduce_sum3A_93 = arith.constant dense<0.000000e+00> : vector<1xf32>
    %reduce_sum3A_94 = vector.multi_reduction <add>, %reduce_sum3A_92, %reduce_sum3A_93 [1, 2] : vector<1x1x64xf32> to vector<1xf32>
    %reduce_sum3A_95 = vector.shape_cast %reduce_sum3A_94 : vector<1xf32> to vector<1x1x1xf32>
    %reduce_sum3A_96 = vector.extract %reduce_sum3A_95[0, 0, 0] : f32 from vector<1x1x1xf32>
    %div3A_97 = arith.constant 6.400000e+01 : f32
    %div3A_98 = arith.divf %reduce_sum3A_96, %div3A_97 : f32
    %sub3A_99 = vector.broadcast %div3A_98 : f32 to vector<1x64xf32>
    %sub3A_100 = arith.subf %broadcast_in_dim3A_84, %sub3A_99 : vector<1x64xf32>
    %integer_pow3A = arith.mulf %sub3A_100, %sub3A_100 : vector<1x64xf32>
    %reduce_sum3A_101 = vector.shape_cast %integer_pow3A : vector<1x64xf32> to vector<1x1x64xf32>
    %reduce_sum3A_102 = arith.constant dense<0.000000e+00> : vector<1xf32>
    %reduce_sum3A_103 = vector.multi_reduction <add>, %reduce_sum3A_101, %reduce_sum3A_102 [1, 2] : vector<1x1x64xf32> to vector<1xf32>
    %reduce_sum3A_104 = vector.shape_cast %reduce_sum3A_103 : vector<1xf32> to vector<1x1x1xf32>
    %reduce_sum3A_105 = vector.extract %reduce_sum3A_104[0, 0, 0] : f32 from vector<1x1x1xf32>
    %div3A_106 = arith.constant 6.300000e+01 : f32
    %div3A_107 = arith.divf %reduce_sum3A_105, %div3A_106 : f32
    %mul3A = arith.mulf %div3A_98, %div3A_98 : f32
    %add3A_108 = arith.constant 1.000000e-10 : f32
    %add3A_109 = arith.addf %mul3A, %add3A_108 : f32
    %div3A_110 = arith.divf %div3A_107, %add3A_109 : f32
    %reduce_sum3A_111 = vector.shape_cast %broadcast_in_dim3A_91 : vector<1x64xf32> to vector<1x1x64xf32>
    %reduce_sum3A_112 = arith.constant dense<0.000000e+00> : vector<1xf32>
    %reduce_sum3A_113 = vector.multi_reduction <add>, %reduce_sum3A_111, %reduce_sum3A_112 [1, 2] : vector<1x1x64xf32> to vector<1xf32>
    %reduce_sum3A_114 = vector.shape_cast %reduce_sum3A_113 : vector<1xf32> to vector<1x1x1xf32>
    %reduce_sum3A_115 = vector.extract %reduce_sum3A_114[0, 0, 0] : f32 from vector<1x1x1xf32>
    %div3A_116 = arith.constant 6.400000e+01 : f32
    %div3A_117 = arith.divf %reduce_sum3A_115, %div3A_116 : f32
    %sub3A_118 = vector.broadcast %div3A_117 : f32 to vector<1x64xf32>
    %sub3A_119 = arith.subf %broadcast_in_dim3A_91, %sub3A_118 : vector<1x64xf32>
    %integer_pow3A_120 = arith.mulf %sub3A_119, %sub3A_119 : vector<1x64xf32>
    %reduce_sum3A_121 = vector.shape_cast %integer_pow3A_120 : vector<1x64xf32> to vector<1x1x64xf32>
    %reduce_sum3A_122 = arith.constant dense<0.000000e+00> : vector<1xf32>
    %reduce_sum3A_123 = vector.multi_reduction <add>, %reduce_sum3A_121, %reduce_sum3A_122 [1, 2] : vector<1x1x64xf32> to vector<1xf32>
    %reduce_sum3A_124 = vector.shape_cast %reduce_sum3A_123 : vector<1xf32> to vector<1x1x1xf32>
    %reduce_sum3A_125 = vector.extract %reduce_sum3A_124[0, 0, 0] : f32 from vector<1x1x1xf32>
    %div3A_126 = arith.constant 6.300000e+01 : f32
    %div3A_127 = arith.divf %reduce_sum3A_125, %div3A_126 : f32
    %mul3A_128 = arith.mulf %div3A_117, %div3A_117 : f32
    %add3A_129 = arith.constant 1.000000e-10 : f32
    %add3A_130 = arith.addf %mul3A_128, %add3A_129 : f32
    %div3A_131 = arith.divf %div3A_127, %add3A_130 : f32
    %add3A_132 = arith.addf %div3A_110, %div3A_131 : f32
    %get3A_133 = arith.constant 0 : index
    %get3A_134 = arith.constant 0 : index
    %get3A_135 = memref.load %arg2[%get3A_133, %get3A_134] : memref<1x1xf32, #tpu.memory_space<smem>>
    %mul3A_136 = arith.mulf %add3A_132, %get3A_135 : f32
    %swap3A_137 = arith.constant 0 : index
    %swap3A_138 = arith.constant 0 : index
    %swap3A_139 = memref.load %arg8[%swap3A_137, %swap3A_138] : memref<1x1xf32, #tpu.memory_space<smem>>
    memref.store %mul3A_136, %arg8[%swap3A_137, %swap3A_138] : memref<1x1xf32, #tpu.memory_space<smem>>
    %iota3A_140 = tpu.iota {dimensions = array<i32: 0>} : vector<64x64xi32>
    %iota3A_141 = tpu.iota {dimensions = array<i32: 1>} : vector<64x64xi32>
    %lt3A = arith.cmpi slt, %iota3A_140, %iota3A_141 : vector<64x64xi32>
    %convert_element_type3A_142 = arith.extui %lt3A : vector<64x64xi1> to vector<64x64xi32>
    %convert_element_type3A_143 = arith.sitofp %convert_element_type3A_142 : vector<64x64xi32> to vector<64x64xf32>
    %dot_general3A_144 = arith.constant dense<0.000000e+00> : vector<1x64xf32>
    %dot_general3A_145 = tpu.matmul %add3A_66, %convert_element_type3A_143, %dot_general3A_144 {dimension_numbers = #tpu.dot_dimension_numbers<[1], [0], [0], [1], [0, 0, 1, 1], [], []>, transpose_lhs_hint = false} : vector<1x64xf32>, vector<64x64xf32>, vector<1x64xf32> -> vector<1x64xf32>
    %add3A_146 = arith.addf %dot_general3A_145, %broadcast_in_dim3A_62 : vector<1x64xf32>
    %le3A = arith.cmpi sle, %iota3A_140, %iota3A_141 : vector<64x64xi32>
    %convert_element_type3A_147 = arith.extui %le3A : vector<64x64xi1> to vector<64x64xi32>
    %convert_element_type3A_148 = arith.sitofp %convert_element_type3A_147 : vector<64x64xi32> to vector<64x64xf32>
    %dot_general3A_149 = arith.constant dense<0.000000e+00> : vector<1x64xf32>
    %dot_general3A_150 = tpu.matmul %add3A_66, %convert_element_type3A_148, %dot_general3A_149 {dimension_numbers = #tpu.dot_dimension_numbers<[1], [0], [0], [1], [0, 0, 1, 1], [], []>, transpose_lhs_hint = false} : vector<1x64xf32>, vector<64x64xf32>, vector<1x64xf32> -> vector<1x64xf32>
    %gt3A_151 = arith.constant 0.000000e+00 : f32
    %gt3A_152 = vector.broadcast %gt3A_151 : f32 to vector<1x64xf32>
    %gt3A_153 = arith.cmpf ogt, %add3A_66, %gt3A_152 : vector<1x64xf32>
    %mul3A_154 = arith.constant 3.906250e-03 : f32
    %mul3A_155 = vector.broadcast %mul3A_154 : f32 to vector<1x64xf32>
    %mul3A_156 = arith.mulf %dot_general3A_145, %mul3A_155 : vector<1x64xf32>
    %floor3A = math.floor %mul3A_156 : vector<1x64xf32>
    %sub3A_157 = arith.constant 1.000000e+00 : f32
    %sub3A_158 = vector.broadcast %sub3A_157 : f32 to vector<1x64xf32>
    %sub3A_159 = arith.subf %dot_general3A_150, %sub3A_158 : vector<1x64xf32>
    %mul3A_160 = arith.constant 3.906250e-03 : f32
    %mul3A_161 = vector.broadcast %mul3A_160 : f32 to vector<1x64xf32>
    %mul3A_162 = arith.mulf %sub3A_159, %mul3A_161 : vector<1x64xf32>
    %floor3A_163 = math.floor %mul3A_162 : vector<1x64xf32>
    %select_n3A_164 = arith.select %gt3A_153, %floor3A_163, %floor3A : vector<1x64xi1>, vector<1x64xf32>
    %sub3A_165 = arith.subf %select_n3A_164, %floor3A : vector<1x64xf32>
    %add3A_166 = arith.constant 1.000000e+00 : f32
    %add3A_167 = vector.broadcast %add3A_166 : f32 to vector<1x64xf32>
    %add3A_168 = arith.addf %sub3A_165, %add3A_167 : vector<1x64xf32>
    %jit3A_169 = arith.constant 0.000000e+00 : f32
    %broadcast_in_dim3A_170 = vector.broadcast %jit3A_169 : f32 to vector<1x64xf32>
    %select_n3A_171 = arith.select %gt3A_153, %add3A_168, %broadcast_in_dim3A_170 : vector<1x64xi1>, vector<1x64xf32>
    %dot_general3A_172 = arith.constant dense<0.000000e+00> : vector<1x64xf32>
    %dot_general3A_173 = tpu.matmul %select_n3A_171, %convert_element_type3A_143, %dot_general3A_172 {dimension_numbers = #tpu.dot_dimension_numbers<[1], [0], [0], [1], [0, 0, 1, 1], [], []>, transpose_lhs_hint = false} : vector<1x64xf32>, vector<64x64xf32>, vector<1x64xf32> -> vector<1x64xf32>
    %add3A_174 = arith.addf %dot_general3A_173, %select_n3A_171 : vector<1x64xf32>
    %reduce_sum3A_175 = vector.shape_cast %select_n3A_171 : vector<1x64xf32> to vector<1x1x64xf32>
    %reduce_sum3A_176 = arith.constant dense<0.000000e+00> : vector<1xf32>
    %reduce_sum3A_177 = vector.multi_reduction <add>, %reduce_sum3A_175, %reduce_sum3A_176 [1, 2] : vector<1x1x64xf32> to vector<1xf32>
    %reduce_sum3A_178 = vector.shape_cast %reduce_sum3A_177 : vector<1xf32> to vector<1x1x1xf32>
    %reduce_sum3A_179 = vector.extract %reduce_sum3A_178[0, 0, 0] : f32 from vector<1x1x1xf32>
    %iota3A_180 = tpu.iota {dimensions = array<i32: 0>} : vector<79x1xi32>
    %convert_element_type3A_181 = arith.sitofp %iota3A_180 : vector<79x1xi32> to vector<79x1xf32>
    %le3A_182 = vector.broadcast %add3A_174 : vector<1x64xf32> to vector<79x64xf32>
    %le3A_183 = vector.broadcast %convert_element_type3A_181 : vector<79x1xf32> to vector<79x64xf32>
    %le3A_184 = arith.cmpf ole, %le3A_182, %le3A_183 : vector<79x64xf32>
    %convert_element_type3A_185 = arith.extui %le3A_184 : vector<79x64xi1> to vector<79x64xi32>
    %convert_element_type3A_186 = arith.sitofp %convert_element_type3A_185 : vector<79x64xi32> to vector<79x64xf32>
    %reduce_sum3A_187 = arith.constant dense<0.000000e+00> : vector<79xf32>
    %reduce_sum3A_188 = vector.multi_reduction <add>, %convert_element_type3A_186, %reduce_sum3A_187 [1] : vector<79x64xf32> to vector<79xf32>
    %broadcast_in_dim3A_189 = vector.shape_cast %reduce_sum3A_188 : vector<79xf32> to vector<79x1xf32>
    %min3A = arith.constant 6.300000e+01 : f32
    %min3A_190 = vector.broadcast %min3A : f32 to vector<79x1xf32>
    %min3A_191 = arith.minimumf %broadcast_in_dim3A_189, %min3A_190 : vector<79x1xf32>
    %iota3A_192 = tpu.iota {dimensions = array<i32: 1>} : vector<79x64xi32>
    %convert_element_type3A_193 = arith.fptosi %min3A_191 : vector<79x1xf32> to vector<79x1xi32>
    %eq3A_194 = vector.broadcast %convert_element_type3A_193 : vector<79x1xi32> to vector<79x64xi32>
    %eq3A_195 = arith.cmpi eq, %iota3A_192, %eq3A_194 : vector<79x64xi32>
    %convert_element_type3A_196 = arith.extui %eq3A_195 : vector<79x64xi1> to vector<79x64xi32>
    %convert_element_type3A_197 = arith.sitofp %convert_element_type3A_196 : vector<79x64xi32> to vector<79x64xf32>
    %mul3A_198 = vector.broadcast %floor3A : vector<1x64xf32> to vector<79x64xf32>
    %mul3A_199 = arith.mulf %convert_element_type3A_197, %mul3A_198 : vector<79x64xf32>
    %reduce_sum3A_200 = arith.constant dense<0.000000e+00> : vector<79xf32>
    %reduce_sum3A_201 = vector.multi_reduction <add>, %mul3A_199, %reduce_sum3A_200 [1] : vector<79x64xf32> to vector<79xf32>
    %broadcast_in_dim3A_202 = vector.shape_cast %reduce_sum3A_201 : vector<79xf32> to vector<79x1xf32>
    %mul3A_203 = vector.broadcast %dot_general3A_173 : vector<1x64xf32> to vector<79x64xf32>
    %mul3A_204 = arith.mulf %convert_element_type3A_197, %mul3A_203 : vector<79x64xf32>
    %reduce_sum3A_205 = arith.constant dense<0.000000e+00> : vector<79xf32>
    %reduce_sum3A_206 = vector.multi_reduction <add>, %mul3A_204, %reduce_sum3A_205 [1] : vector<79x64xf32> to vector<79xf32>
    %broadcast_in_dim3A_207 = vector.shape_cast %reduce_sum3A_206 : vector<79xf32> to vector<79x1xf32>
    %mul3A_208 = vector.broadcast %dot_general3A_145 : vector<1x64xf32> to vector<79x64xf32>
    %mul3A_209 = arith.mulf %convert_element_type3A_197, %mul3A_208 : vector<79x64xf32>
    %reduce_sum3A_210 = arith.constant dense<0.000000e+00> : vector<79xf32>
    %reduce_sum3A_211 = vector.multi_reduction <add>, %mul3A_209, %reduce_sum3A_210 [1] : vector<79x64xf32> to vector<79xf32>
    %broadcast_in_dim3A_212 = vector.shape_cast %reduce_sum3A_211 : vector<79xf32> to vector<79x1xf32>
    %mul3A_213 = vector.broadcast %dot_general3A_150 : vector<1x64xf32> to vector<79x64xf32>
    %mul3A_214 = arith.mulf %convert_element_type3A_197, %mul3A_213 : vector<79x64xf32>
    %reduce_sum3A_215 = arith.constant dense<0.000000e+00> : vector<79xf32>
    %reduce_sum3A_216 = vector.multi_reduction <add>, %mul3A_214, %reduce_sum3A_215 [1] : vector<79x64xf32> to vector<79xf32>
    %broadcast_in_dim3A_217 = vector.shape_cast %reduce_sum3A_216 : vector<79xf32> to vector<79x1xf32>
    %lt3A_218 = vector.broadcast %reduce_sum3A_179 : f32 to vector<79x1xf32>
    %lt3A_219 = arith.cmpf olt, %convert_element_type3A_181, %lt3A_218 : vector<79x1xf32>
    %sub3A_220 = arith.subf %convert_element_type3A_181, %broadcast_in_dim3A_207 : vector<79x1xf32>
    %add3A_221 = arith.addf %broadcast_in_dim3A_202, %sub3A_220 : vector<79x1xf32>
    %jit3A_222 = arith.constant 1.500000e+01 : f32
    %broadcast_in_dim3A_223 = vector.broadcast %jit3A_222 : f32 to vector<79x1xf32>
    %select_n3A_224 = arith.select %lt3A_219, %add3A_221, %broadcast_in_dim3A_223 : vector<79x1xi1>, vector<79x1xf32>
    %sub3A_225 = arith.constant 1.000000e+00 : f32
    %sub3A_226 = arith.subf %reduce_sum3A_179, %sub3A_225 : f32
    %eq3A_227 = vector.broadcast %sub3A_226 : f32 to vector<79x1xf32>
    %eq3A_228 = arith.cmpf oeq, %convert_element_type3A_181, %eq3A_227 : vector<79x1xf32>
    %jit3A_229 = arith.constant 0.000000e+00 : f32
    %broadcast_in_dim3A_230 = vector.broadcast %jit3A_229 : f32 to vector<79x1xf32>
    %select_n3A_231 = arith.select %eq3A_228, %min3A_191, %broadcast_in_dim3A_230 : vector<79x1xi1>, vector<79x1xf32>
    %reduce_sum3A_232 = vector.shape_cast %select_n3A_231 : vector<79x1xf32> to vector<1x79x1xf32>
    %reduce_sum3A_233 = arith.constant dense<0.000000e+00> : vector<1xf32>
    %reduce_sum3A_234 = vector.multi_reduction <add>, %reduce_sum3A_232, %reduce_sum3A_233 [1, 2] : vector<1x79x1xf32> to vector<1xf32>
    %reduce_sum3A_235 = vector.shape_cast %reduce_sum3A_234 : vector<1xf32> to vector<1x1x1xf32>
    %reduce_sum3A_236 = vector.extract %reduce_sum3A_235[0, 0, 0] : f32 from vector<1x1x1xf32>
    %broadcast_in_dim3A_237 = vector.broadcast %reduce_sum3A_236 : f32 to vector<79x1xf32>
    %select_n3A_238 = arith.select %lt3A_219, %min3A_191, %broadcast_in_dim3A_237 : vector<79x1xi1>, vector<79x1xf32>
    %jit3A_239 = arith.constant 0.000000e+00 : f32
    %broadcast_in_dim3A_240 = vector.broadcast %jit3A_239 : f32 to vector<79x1xf32>
    %select_n3A_241 = arith.select %lt3A_219, %broadcast_in_dim3A_212, %broadcast_in_dim3A_240 : vector<79x1xi1>, vector<79x1xf32>
    %jit3A_242 = arith.constant 0.000000e+00 : f32
    %broadcast_in_dim3A_243 = vector.broadcast %jit3A_242 : f32 to vector<79x1xf32>
    %select_n3A_244 = arith.select %lt3A_219, %broadcast_in_dim3A_217, %broadcast_in_dim3A_243 : vector<79x1xi1>, vector<79x1xf32>
    %mul3A_245 = arith.constant 2.560000e+02 : f32
    %mul3A_246 = vector.broadcast %mul3A_245 : f32 to vector<79x1xf32>
    %mul3A_247 = arith.mulf %select_n3A_224, %mul3A_246 : vector<79x1xf32>
    %le3A_248 = arith.cmpf ole, %select_n3A_241, %mul3A_247 : vector<79x1xf32>
    %and3A = arith.andi %lt3A_219, %le3A_248 : vector<79x1xi1>
    %lt3A_249 = arith.cmpf olt, %mul3A_247, %select_n3A_244 : vector<79x1xf32>
    %and3A_250 = arith.andi %and3A, %lt3A_249 : vector<79x1xi1>
    %convert_element_type3A_251 = arith.extui %lt3A_219 : vector<79x1xi1> to vector<79x1xi32>
    %convert_element_type3A_252 = arith.sitofp %convert_element_type3A_251 : vector<79x1xi32> to vector<79x1xf32>
    %convert_element_type3A_253 = arith.extui %and3A_250 : vector<79x1xi1> to vector<79x1xi32>
    %convert_element_type3A_254 = arith.sitofp %convert_element_type3A_253 : vector<79x1xi32> to vector<79x1xf32>
    %broadcast_in_dim3A_255 = arith.constant 0.000000e+00 : f32
    %broadcast_in_dim3A_256 = vector.broadcast %broadcast_in_dim3A_255 : f32 to vector<79x2xf32>
    %concatenate3A = tpu.concatenate %select_n3A_224, %select_n3A_238, %select_n3A_241, %select_n3A_244, %convert_element_type3A_252, %convert_element_type3A_254, %broadcast_in_dim3A_256 in 1 : vector<79x1xf32>, vector<79x1xf32>, vector<79x1xf32>, vector<79x1xf32>, vector<79x1xf32>, vector<79x1xf32>, vector<79x2xf32> -> vector<79x8xf32>
    %convert_element_type3A_257 = arith.fptosi %concatenate3A : vector<79x8xf32> to vector<79x8xi32>
    %swap3A_258 = arith.constant 0 : index
    %swap3A_259 = arith.constant 0 : index
    %swap3A_260 = vector.load %arg7[%swap3A_258, %swap3A_259] : memref<79x8xi32, #tpu.memory_space<vmem>>, vector<79x8xi32>
    tpu.vector_store %arg7[%swap3A_258, %swap3A_259], %convert_element_type3A_257 {strides = array<i32>} : memref<79x8xi32, #tpu.memory_space<vmem>>, vector<79x8xi32>,
    %iota3A_261 = tpu.iota {dimensions = array<i32: 0>} : vector<256x256xi32>
    %iota3A_262 = tpu.iota {dimensions = array<i32: 1>} : vector<256x256xi32>
    %gt3A_263 = arith.cmpi sgt, %iota3A_261, %iota3A_262 : vector<256x256xi32>
    %convert_element_type3A_264 = arith.extui %gt3A_263 : vector<256x256xi1> to vector<256x256xi32>
    %convert_element_type3A_265 = arith.sitofp %convert_element_type3A_264 : vector<256x256xi32> to vector<256x256xf32>
    %eq3A_266 = arith.cmpi eq, %iota3A_261, %iota3A_262 : vector<256x256xi32>
    %convert_element_type3A_267 = arith.extui %eq3A_266 : vector<256x256xi1> to vector<256x256xi32>
    %convert_element_type3A_268 = arith.sitofp %convert_element_type3A_267 : vector<256x256xi32> to vector<256x256xf32>
    %iota3A_269 = tpu.iota {dimensions = array<i32: 1>} : vector<256x64xi32>
    %broadcast_in_dim3A_270 = arith.constant 0.000000e+00 : f32
    %broadcast_in_dim3A_271 = vector.broadcast %broadcast_in_dim3A_270 : f32 to vector<1x64xf32>
    %broadcast_in_dim3A_272 = arith.constant 0.000000e+00 : f32
    %broadcast_in_dim3A_273 = vector.broadcast %broadcast_in_dim3A_272 : f32 to vector<1x64xf32>
    %scan3A = arith.constant 0 : i32
    %scan3A_274 = arith.constant 8 : i32
    %scan3A_275 = arith.addi %scan3A, %scan3A_274 : i32
    %scan3A_276 = arith.constant 1 : i32
    %scan3A_277:2 = scf.for %scan3A_279 = %scan3A to %scan3A_275 step %scan3A_276 iter_args(%scan3A_280 = %broadcast_in_dim3A_271, %scan3A_281 = %broadcast_in_dim3A_273) -> (vector<1x64xf32>, vector<1x64xf32>)  : i32 {
      %mul3A_282 = arith.constant 256 : i32
      %mul3A_283 = arith.muli %scan3A_279, %mul3A_282 : i32
      %get3A_284 = arith.index_cast %mul3A_283 : i32 to index
      %get3A_285 = arith.constant 0 : index
      %get3A_286 = vector.load %arg9[%get3A_284, %get3A_285] : memref<2048x1xi32, #tpu.memory_space<vmem>>, vector<256x1xi32>
      %mul3A_287 = arith.constant 256 : i32
      %mul3A_288 = arith.muli %scan3A_279, %mul3A_287 : i32
      %get3A_289 = arith.index_cast %mul3A_288 : i32 to index
      %get3A_290 = arith.constant 0 : index
      %get3A_291 = vector.load %arg10[%get3A_289, %get3A_290] : memref<2048x1xi32, #tpu.memory_space<vmem>>, vector<256x1xi32>
      %eq3A_292 = vector.broadcast %get3A_286 : vector<256x1xi32> to vector<256x64xi32>
      %eq3A_293 = arith.cmpi eq, %iota3A_269, %eq3A_292 : vector<256x64xi32>
      %convert_element_type3A_294 = arith.extui %eq3A_293 : vector<256x64xi1> to vector<256x64xi32>
      %convert_element_type3A_295 = arith.sitofp %convert_element_type3A_294 : vector<256x64xi32> to vector<256x64xf32>
      %eq3A_296 = vector.broadcast %get3A_291 : vector<256x1xi32> to vector<256x64xi32>
      %eq3A_297 = arith.cmpi eq, %iota3A_269, %eq3A_296 : vector<256x64xi32>
      %convert_element_type3A_298 = arith.extui %eq3A_297 : vector<256x64xi1> to vector<256x64xi32>
      %convert_element_type3A_299 = arith.sitofp %convert_element_type3A_298 : vector<256x64xi32> to vector<256x64xf32>
      %dot_general3A_300 = arith.constant dense<0.000000e+00> : vector<256x64xf32>
      %dot_general3A_301 = tpu.matmul %convert_element_type3A_265, %convert_element_type3A_295, %dot_general3A_300 {dimension_numbers = #tpu.dot_dimension_numbers<[1], [0], [0], [1], [0, 0, 1, 1], [], []>, transpose_lhs_hint = false} : vector<256x256xf32>, vector<256x64xf32>, vector<256x64xf32> -> vector<256x64xf32>
      %add3A_302 = vector.broadcast %scan3A_280 : vector<1x64xf32> to vector<256x64xf32>
      %add3A_303 = arith.addf %dot_general3A_301, %add3A_302 : vector<256x64xf32>
      %dot_general3A_304 = arith.constant dense<0.000000e+00> : vector<256x64xf32>
      %dot_general3A_305 = tpu.matmul %convert_element_type3A_265, %convert_element_type3A_299, %dot_general3A_304 {dimension_numbers = #tpu.dot_dimension_numbers<[1], [0], [0], [1], [0, 0, 1, 1], [], []>, transpose_lhs_hint = false} : vector<256x256xf32>, vector<256x64xf32>, vector<256x64xf32> -> vector<256x64xf32>
      %add3A_306 = vector.broadcast %scan3A_281 : vector<1x64xf32> to vector<256x64xf32>
      %add3A_307 = arith.addf %dot_general3A_305, %add3A_306 : vector<256x64xf32>
      %mul3A_308 = arith.mulf %add3A_303, %convert_element_type3A_295 : vector<256x64xf32>
      %reduce_sum3A_309 = arith.constant dense<0.000000e+00> : vector<256xf32>
      %reduce_sum3A_310 = vector.multi_reduction <add>, %mul3A_308, %reduce_sum3A_309 [1] : vector<256x64xf32> to vector<256xf32>
      %broadcast_in_dim3A_311 = vector.shape_cast %reduce_sum3A_310 : vector<256xf32> to vector<256x1xf32>
      %mul3A_312 = vector.broadcast %dot_general3A_145 : vector<1x64xf32> to vector<256x64xf32>
      %mul3A_313 = arith.mulf %convert_element_type3A_295, %mul3A_312 : vector<256x64xf32>
      %reduce_sum3A_314 = arith.constant dense<0.000000e+00> : vector<256xf32>
      %reduce_sum3A_315 = vector.multi_reduction <add>, %mul3A_313, %reduce_sum3A_314 [1] : vector<256x64xf32> to vector<256xf32>
      %broadcast_in_dim3A_316 = vector.shape_cast %reduce_sum3A_315 : vector<256xf32> to vector<256x1xf32>
      %add3A_317 = arith.addf %broadcast_in_dim3A_311, %broadcast_in_dim3A_316 : vector<256x1xf32>
      %mul3A_318 = arith.mulf %add3A_307, %convert_element_type3A_299 : vector<256x64xf32>
      %reduce_sum3A_319 = arith.constant dense<0.000000e+00> : vector<256xf32>
      %reduce_sum3A_320 = vector.multi_reduction <add>, %mul3A_318, %reduce_sum3A_319 [1] : vector<256x64xf32> to vector<256xf32>
      %broadcast_in_dim3A_321 = vector.shape_cast %reduce_sum3A_320 : vector<256xf32> to vector<256x1xf32>
      %mul3A_322 = vector.broadcast %add3A_146 : vector<1x64xf32> to vector<256x64xf32>
      %mul3A_323 = arith.mulf %convert_element_type3A_299, %mul3A_322 : vector<256x64xf32>
      %reduce_sum3A_324 = arith.constant dense<0.000000e+00> : vector<256xf32>
      %reduce_sum3A_325 = vector.multi_reduction <add>, %mul3A_323, %reduce_sum3A_324 [1] : vector<256x64xf32> to vector<256xf32>
      %broadcast_in_dim3A_326 = vector.shape_cast %reduce_sum3A_325 : vector<256xf32> to vector<256x1xf32>
      %add3A_327 = arith.addf %broadcast_in_dim3A_321, %broadcast_in_dim3A_326 : vector<256x1xf32>
      %dot_general3A_328 = arith.constant dense<0.000000e+00> : vector<1x256xf32>
      %dot_general3A_329 = tpu.matmul %add3A_317, %convert_element_type3A_268, %dot_general3A_328 {dimension_numbers = #tpu.dot_dimension_numbers<[0], [0], [1], [1], [0, 1, 1, 1], [], []>, transpose_lhs_hint = false} : vector<256x1xf32>, vector<256x256xf32>, vector<1x256xf32> -> vector<1x256xf32>
      %dot_general3A_330 = arith.constant dense<0.000000e+00> : vector<1x256xf32>
      %dot_general3A_331 = tpu.matmul %add3A_327, %convert_element_type3A_268, %dot_general3A_330 {dimension_numbers = #tpu.dot_dimension_numbers<[0], [0], [1], [1], [0, 1, 1, 1], [], []>, transpose_lhs_hint = false} : vector<256x1xf32>, vector<256x256xf32>, vector<1x256xf32> -> vector<1x256xf32>
      %convert_element_type3A_332 = arith.fptosi %dot_general3A_329 : vector<1x256xf32> to vector<1x256xi32>
      %reshape3A = vector.shape_cast %convert_element_type3A_332 : vector<1x256xi32> to vector<256xi32>
      %mul3A_333 = arith.constant 256 : i32
      %mul3A_334 = arith.muli %scan3A_279, %mul3A_333 : i32
      %swap3A_335 = arith.index_cast %mul3A_334 : i32 to index
      %swap3A_336 = vector.load %arg3[%swap3A_335] : memref<2048xi32, #tpu.memory_space<vmem>>, vector<256xi32>
      tpu.vector_store %arg3[%swap3A_335], %reshape3A {strides = array<i32>} : memref<2048xi32, #tpu.memory_space<vmem>>, vector<256xi32>,
      %convert_element_type3A_337 = arith.fptosi %dot_general3A_331 : vector<1x256xf32> to vector<1x256xi32>
      %reshape3A_338 = vector.shape_cast %convert_element_type3A_337 : vector<1x256xi32> to vector<256xi32>
      %mul3A_339 = arith.constant 256 : i32
      %mul3A_340 = arith.muli %scan3A_279, %mul3A_339 : i32
      %swap3A_341 = arith.index_cast %mul3A_340 : i32 to index
      %swap3A_342 = vector.load %arg4[%swap3A_341] : memref<2048xi32, #tpu.memory_space<vmem>>, vector<256xi32>
      tpu.vector_store %arg4[%swap3A_341], %reshape3A_338 {strides = array<i32>} : memref<2048xi32, #tpu.memory_space<vmem>>, vector<256xi32>,
      %reduce_sum3A_343 = arith.constant dense<0.000000e+00> : vector<64xf32>
      %reduce_sum3A_344 = vector.multi_reduction <add>, %convert_element_type3A_295, %reduce_sum3A_343 [0] : vector<256x64xf32> to vector<64xf32>
      %broadcast_in_dim3A_345 = vector.shape_cast %reduce_sum3A_344 : vector<64xf32> to vector<1x64xf32>
      %add3A_346 = arith.addf %scan3A_280, %broadcast_in_dim3A_345 : vector<1x64xf32>
      %reduce_sum3A_347 = arith.constant dense<0.000000e+00> : vector<64xf32>
      %reduce_sum3A_348 = vector.multi_reduction <add>, %convert_element_type3A_299, %reduce_sum3A_347 [0] : vector<256x64xf32> to vector<64xf32>
      %broadcast_in_dim3A_349 = vector.shape_cast %reduce_sum3A_348 : vector<64xf32> to vector<1x64xf32>
      %add3A_350 = arith.addf %scan3A_281, %broadcast_in_dim3A_349 : vector<1x64xf32>
      scf.yield %add3A_346, %add3A_350 : vector<1x64xf32>, vector<1x64xf32>
    }
    %scan3A_278 = arith.constant 8 : i32
    return
  }
}

module attributes {stable_mosaic.version = 14 : i64} {
  func.func @_gmm_kernel(%arg0: i32, %arg1: memref<79x8xi32, #tpu.memory_space<smem>>, %arg2: memref<256x768xf32, #tpu.memory_space<vmem>>, %arg3: memref<1x768x768xf32, #tpu.memory_space<vmem>>, %arg4: memref<1x1x768xf32, #tpu.memory_space<vmem>>, %arg5: memref<256x768xf32, #tpu.memory_space<vmem>>) attributes {dimension_semantics = [#tpu.dimension_semantics<arbitrary>], iteration_bounds = array<i64: 79>, scalar_prefetch = 1 : i64, scratch_operands = 0 : i64, tpu.core_type = #tpu.core_type<tc>, window_params = [{transform_indices = @transform_0, window_bounds = array<i64: 256, 768>}, {transform_indices = @transform_1, window_bounds = array<i64: 1, 768, 768>}, {transform_indices = @transform_2, window_bounds = array<i64: 1, 1, 768>}, {transform_indices = @transform_3, window_bounds = array<i64: 256, 768>}]} {
    %get3A = arith.index_cast %arg0 : i32 to index
    %get3A_0 = arith.constant 4 : index
    %get3A_1 = memref.load %arg1[%get3A, %get3A_0] : memref<79x8xi32, #tpu.memory_space<smem>>
    %eq3A = arith.constant 1 : i32
    %eq3A_2 = arith.cmpi eq, %get3A_1, %eq3A : i32
    %convert_element_type3A = arith.extui %eq3A_2 : i1 to i32
    %cond3A = arith.constant 0 : i32
    %cond3A_3 = arith.cmpi ne, %convert_element_type3A, %cond3A : i32
    scf.if %cond3A_3 {
      %get3A_4 = arith.index_cast %arg0 : i32 to index
      %get3A_5 = arith.constant 0 : index
      %get3A_6 = memref.load %arg1[%get3A_4, %get3A_5] : memref<79x8xi32, #tpu.memory_space<smem>>
      %get3A_7 = arith.index_cast %arg0 : i32 to index
      %get3A_8 = arith.constant 2 : index
      %get3A_9 = memref.load %arg1[%get3A_7, %get3A_8] : memref<79x8xi32, #tpu.memory_space<smem>>
      %get3A_10 = arith.index_cast %arg0 : i32 to index
      %get3A_11 = arith.constant 3 : index
      %get3A_12 = memref.load %arg1[%get3A_10, %get3A_11] : memref<79x8xi32, #tpu.memory_space<smem>>
      %get3A_13 = arith.index_cast %arg0 : i32 to index
      %get3A_14 = arith.constant 5 : index
      %get3A_15 = memref.load %arg1[%get3A_13, %get3A_14] : memref<79x8xi32, #tpu.memory_space<smem>>
      %mul3A = arith.constant 256 : i32
      %mul3A_16 = arith.muli %get3A_6, %mul3A : i32
      %iota3A = tpu.iota {dimensions = array<i32: 0>} : vector<256x1xi32>
      %add3A = vector.broadcast %mul3A_16 : i32 to vector<256x1xi32>
      %add3A_17 = arith.addi %add3A, %iota3A : vector<256x1xi32>
      %ge3A = vector.broadcast %get3A_9 : i32 to vector<256x1xi32>
      %ge3A_18 = arith.cmpi sge, %add3A_17, %ge3A : vector<256x1xi32>
      %lt3A = vector.broadcast %get3A_12 : i32 to vector<256x1xi32>
      %lt3A_19 = arith.cmpi slt, %add3A_17, %lt3A : vector<256x1xi32>
      %and3A = arith.andi %ge3A_18, %lt3A_19 : vector<256x1xi1>
      %get3A_20 = arith.constant 0 : index
      %get3A_21 = arith.constant 0 : index
      %get3A_22 = vector.load %arg2[%get3A_20, %get3A_21] : memref<256x768xf32, #tpu.memory_space<vmem>>, vector<256x768xf32>
      %get3A_23 = arith.constant 0 : index
      %get3A_24 = arith.constant 0 : index
      %get3A_25 = arith.constant 0 : index
      %get3A_26 = vector.load %arg3[%get3A_23, %get3A_24, %get3A_25] : memref<1x768x768xf32, #tpu.memory_space<vmem>>, vector<1x768x768xf32>
      %get3A_27 = vector.shape_cast %get3A_26 : vector<1x768x768xf32> to vector<768x768xf32>
      %dot_general3A = arith.constant dense<0.000000e+00> : vector<256x768xf32>
      %dot_general3A_28 = tpu.matmul %get3A_22, %get3A_27, %dot_general3A {dimension_numbers = #tpu.dot_dimension_numbers<[1], [0], [0], [1], [0, 0, 1, 1], [], []>, transpose_lhs_hint = false} : vector<256x768xf32>, vector<768x768xf32>, vector<256x768xf32> -> vector<256x768xf32>
      %get3A_29 = arith.constant 0 : index
      %get3A_30 = arith.constant 0 : index
      %get3A_31 = arith.constant 0 : index
      %get3A_32 = vector.load %arg4[%get3A_29, %get3A_30, %get3A_31] : memref<1x1x768xf32, #tpu.memory_space<vmem>>, vector<1x1x768xf32>
      %get3A_33 = vector.shape_cast %get3A_32 : vector<1x1x768xf32> to vector<1x768xf32>
      %add3A_34 = vector.broadcast %get3A_33 : vector<1x768xf32> to vector<256x768xf32>
      %add3A_35 = arith.addf %dot_general3A_28, %add3A_34 : vector<256x768xf32>
      %exp3A = math.exp %add3A_35 : vector<256x768xf32>
      %eq3A_36 = arith.constant 1 : i32
      %eq3A_37 = arith.cmpi eq, %get3A_15, %eq3A_36 : i32
      %broadcast_in_dim3A = arith.constant 0.000000e+00 : f32
      %broadcast_in_dim3A_38 = vector.broadcast %broadcast_in_dim3A : f32 to vector<256x768xf32>
      %get3A_39 = arith.constant 0 : index
      %get3A_40 = arith.constant 0 : index
      %get3A_41 = vector.load %arg5[%get3A_39, %get3A_40] : memref<256x768xf32, #tpu.memory_space<vmem>>, vector<256x768xf32>
      %select_n3A = arith.select %eq3A_37, %broadcast_in_dim3A_38, %get3A_41 : vector<256x768xf32>
      %broadcast_in_dim3A_42 = vector.shape_cast %and3A : vector<256x1xi1> to vector<256x1xi1>
      %broadcast_in_dim3A_43 = vector.broadcast %broadcast_in_dim3A_42 : vector<256x1xi1> to vector<256x768xi1>
      %select_n3A_44 = arith.select %broadcast_in_dim3A_43, %exp3A, %select_n3A : vector<256x768xi1>, vector<256x768xf32>
      %swap3A = arith.constant 0 : index
      %swap3A_45 = arith.constant 0 : index
      %swap3A_46 = vector.load %arg5[%swap3A, %swap3A_45] : memref<256x768xf32, #tpu.memory_space<vmem>>, vector<256x768xf32>
      tpu.vector_store %arg5[%swap3A, %swap3A_45], %select_n3A_44 {strides = array<i32>} : memref<256x768xf32, #tpu.memory_space<vmem>>, vector<256x768xf32>,
    } else {
    }
    return
  }
  func.func @transform_0(%arg0: i32, %arg1: memref<79x8xi32, #tpu.memory_space<smem>>) -> (i32, i32) {
    %get3A = arith.index_cast %arg0 : i32 to index
    %get3A_0 = arith.constant 0 : index
    %get3A_1 = memref.load %arg1[%get3A, %get3A_0] : memref<79x8xi32, #tpu.memory_space<smem>>
    %c0_i32 = arith.constant 0 : i32
    %c0_i32_2 = arith.constant 0 : i32
    return %get3A_1, %c0_i32 : i32, i32
  }
  func.func @transform_1(%arg0: i32, %arg1: memref<79x8xi32, #tpu.memory_space<smem>>) -> (i32, i32, i32) {
    %get3A = arith.index_cast %arg0 : i32 to index
    %get3A_0 = arith.constant 1 : index
    %get3A_1 = memref.load %arg1[%get3A, %get3A_0] : memref<79x8xi32, #tpu.memory_space<smem>>
    %c0_i32 = arith.constant 0 : i32
    %c0_i32_2 = arith.constant 0 : i32
    %c0_i32_3 = arith.constant 0 : i32
    return %get3A_1, %c0_i32, %c0_i32_2 : i32, i32, i32
  }
  func.func @transform_2(%arg0: i32, %arg1: memref<79x8xi32, #tpu.memory_space<smem>>) -> (i32, i32, i32) {
    %get3A = arith.index_cast %arg0 : i32 to index
    %get3A_0 = arith.constant 1 : index
    %get3A_1 = memref.load %arg1[%get3A, %get3A_0] : memref<79x8xi32, #tpu.memory_space<smem>>
    %c0_i32 = arith.constant 0 : i32
    %c0_i32_2 = arith.constant 0 : i32
    %c0_i32_3 = arith.constant 0 : i32
    return %get3A_1, %c0_i32, %c0_i32_2 : i32, i32, i32
  }
  func.func @transform_3(%arg0: i32, %arg1: memref<79x8xi32, #tpu.memory_space<smem>>) -> (i32, i32) {
    %get3A = arith.index_cast %arg0 : i32 to index
    %get3A_0 = arith.constant 0 : index
    %get3A_1 = memref.load %arg1[%get3A, %get3A_0] : memref<79x8xi32, #tpu.memory_space<smem>>
    %c0_i32 = arith.constant 0 : i32
    %c0_i32_2 = arith.constant 0 : i32
    return %get3A_1, %c0_i32 : i32, i32
  }
}

</mosaic_0001>

<sc_bundles>
// kernel: kernel.10.cloned.1.call-start
scs
__scs_entry_jumppad:
0x0: {  	(pc) =	sbr.rel $0x88, $3  }
0x1: {  	(tag) =	ssettag $0x0;
	lr =	simm.s32 $0x1  }
0x2: {  	[smem:$0x3F9C] =	sst lr;
	_ =	strace $0xD0000000  }
0x3: {  	_ = 	snop  }
0x4: {  	_ = 	snop  }
0x5: {  	_ = 	snop  }
0x6: {  	_ = 	snop  }
0x7: {  	_ = 	snop  }
__scs_overlays_trampoline_lowered:
0x8: {  	[smem:$0x3FAB] =	sst s0  }
0x9: {  	[smem:$0x3FAC] =	sst s1  }
0xa: {  	[smem:$0x3FAD] =	sst s2  }
0xb: {  	[smem:$0x3FAE] =	sst s3  }
0xc: {  	[smem:$0x3FAF] =	sst s4  }
0xd: {  	[smem:$0x3FB0] =	sst s5  }
0xe: {  	[smem:$0x3FB1] =	sst s6  }
0xf: {  	[smem:$0x3FB2] =	sst s7  }
0x10: {  	[smem:$0x3FB3] =	sst s8  }
0x11: {  	[smem:$0x3FB4] =	sst s9;
	s0 =	simm.s32 @!p0 $0x0  }
0x12: {  	s1 =	sld [smem:$0x3F9A];
	s0 =	simm.s32 @p0 $0x1  }
0x13: {  	[smem:$0x3FB5] =	sst s0;
	s0 =	simm.s32 @!p1 $0x0  }
0x14: {  	s2 =	sld [smem:$0x3F99];
	s0 =	simm.s32 @p1 $0x1  }
0x15: {  	[smem:$0x3FB6] =	sst s0;
	s0 =	simm.s32 @!p2 $0x0  }
0x16: {  	s3 =	sld [smem:$0x3FDB];
	s0 =	simm.s32 @p2 $0x1  }
0x17: {  	s4 =	simm.s32 $0x1BF5;
	[smem:$0x3FB8] =	sst s0  }
0x18: {  	s0 =	sld [smem:$0x3F9B];
	_ =	swait.ge [sflag:s4], $0x0  }
0x19: {  	s7 =	sld [smem:$0x3F9C]  }
0x1a: {  	s8 =	sadd.s32 $0xFFFFE003, lr  }
0x1b: {  	s9 =	sadd.s32 $0xFFFFFEF7, lr;
	s5 =	simm.s32 $0xFFFFFFFF;
	p2 =	slt.u32 s8, $0xFFFFF086  }
0x1c: {  	p1 =	slt.u32 s9, $0xF7A;
	s5 =	simm.s32 @!p2 $0x0  }
0x1d: {  	s5 =	simm.s32 @p1 $0x1;
	p0 =	seq.s32 s7, s2  }
0x1e: {  	s7 =	smul.u32 @!p0 $0xF7A, s2;
	p2 =	seq.s32 @!p0 s5, $0x0  }
0x1f: {  	s9 =	smul.u32 $0xF7A, s1;
	s8 =	simm.s32 @!p0 $0x1BF5;
	p2 =	por !p2, p0  }
0x20: {  	[sflag:s8] =	ssyncset.s32 @!p0 $0xFFFFF086;
	s6 =	sadd.s32 @!p0 s3, s7;
	s7 =	simm.s32 @!p0 $0x108  }
0x21: {  	s3 =	sadd.s32 s3, s9;
	s6 =	sadd.s32 @!p0 $0x88, s6;
	s7 =	simm.s32 @p2 $0x1082  }
0x22: {  	[simem:s7], [sflag:s8] =	dma.local @!p0 [hbm:s6], $0xF7A  }
0x23: {  	s9 =	sor.u32 $0xD0000000, s2;
	s6 =	simm.s32 $0x108;
	_ =	swait.ge @!p0 [sflag:s8], $0x0  }
0x24: {  	s3 =	sadd.s32 $0x88, s3;
	s6 =	simm.s32 @!p1 $0x1082;
	[sflag:s4] =	ssyncset.s32 $0xFFFFF086  }
0x25: {  	[simem:s6], [sflag:s4] =	dma.local [hbm:s3], $0xF7A  }
0x26: {  	[smem:$0x3F9C] =	sst s1;
	(tag) =	ssettag s2;
	_ =	strace s9  }
0x27: {  	s1 =	sld [smem:$0x3FAC]  }
0x28: {  	s2 =	sld [smem:$0x3FAD]  }
0x29: {  	s4 =	sld [smem:$0x3FAF]  }
0x2a: {  	p0 =	seq.s32 s5, $0x0;
	s5 =	sld [smem:$0x3FB0]  }
0x2b: {  	s6 =	sld [smem:$0x3FB1]  }
0x2c: {  	s7 =	sld [smem:$0x3FB2]  }
0x2d: {  	s3 =	simm.s32 $0x108;
	s8 =	sld [smem:$0x3FB3]  }
0x2e: {  	s3 =	simm.s32 @!p0 $0x1082;
	s9 =	sld [smem:$0x3FB4]  }
0x2f: {  	lr =	sadd.s32 s0, s3;
	s0 =	sld [smem:$0x3FAB]  }
0x30: {  	s3 =	sld [smem:$0x3FAE]  }
0x31: {  	[smem:$0x3FB7] =	sst s10  }
0x32: {  	s10 =	sld [smem:$0x3FB5];
	_ =	sdelay $0x3  }
0x33: {  	p0 =	seq.s32 s10, $0x1;
	s10 =	sld [smem:$0x3FB7];
	_ =	sdelay $0x3  }
0x34: {  	[smem:$0x3FB7] =	sst s10  }
0x35: {  	s10 =	sld [smem:$0x3FB6];
	_ =	sdelay $0x3  }
0x36: {  	p1 =	seq.s32 s10, $0x1;
	s10 =	sld [smem:$0x3FB7];
	_ =	sdelay $0x3  }
0x37: {  	[smem:$0x3FB7] =	sst s10  }
0x38: {  	s10 =	sld [smem:$0x3FB8]  }
0x39: {  	_ = 	snop;
	(pc) =	sbr.ind lr, $3  }
0x3a: {  	_ = 	snop  }
0x3b: {  	_ = 	snop  }
0x3c: {  	p2 =	seq.s32 s10, $0x1;
	s10 =	sld [smem:$0x3FB7]  }
0x3d: {  	_ =	shalt  }
0x3e: {  	_ =	shalt  }
0x3f: {  	_ =	shalt  }
0x40: {  	_ =	shalt  }
0x41: {  	_ =	shalt  }
0x42: {  	_ =	shalt  }
0x43: {  	_ =	shalt  }
0x44: {  	_ =	shalt  }
0x45: {  	_ =	shalt  }
0x46: {  	_ =	shalt  }
0x47: {  	_ =	shalt  }
0x48: {  	_ =	shalt  }
0x49: {  	_ =	shalt  }
0x4a: {  	_ =	shalt  }
0x4b: {  	_ =	shalt  }
0x4c: {  	_ =	shalt  }
0x4d: {  	_ =	shalt  }
0x4e: {  	_ =	shalt  }
0x4f: {  	_ =	shalt  }
0x50: {  	_ =	shalt  }
0x51: {  	_ =	shalt  }
0x52: {  	_ =	shalt  }
0x53: {  	_ =	shalt  }
0x54: {  	_ =	shalt  }
0x55: {  	_ =	shalt  }
0x56: {  	_ =	shalt  }
0x57: {  	_ =	shalt  }
0x58: {  	_ =	shalt  }
0x59: {  	_ =	shalt  }
0x5a: {  	_ =	shalt  }
0x5b: {  	_ =	shalt  }
0x5c: {  	_ =	shalt  }
0x5d: {  	_ =	shalt  }
0x5e: {  	_ =	shalt  }
0x5f: {  	_ =	shalt  }
0x60: {  	_ =	shalt  }
0x61: {  	_ =	shalt  }
0x62: {  	_ =	shalt  }
0x63: {  	_ =	shalt  }
0x64: {  	_ =	shalt  }
0x65: {  	_ =	shalt  }
0x66: {  	_ =	shalt  }
0x67: {  	_ =	shalt  }
0x68: {  	_ =	shalt  }
0x69: {  	_ =	shalt  }
0x6a: {  	_ =	shalt  }
0x6b: {  	_ =	shalt  }
0x6c: {  	_ =	shalt  }
0x6d: {  	_ =	shalt  }
0x6e: {  	_ =	shalt  }
0x6f: {  	_ =	shalt  }
0x70: {  	_ =	shalt  }
0x71: {  	_ =	shalt  }
0x72: {  	_ =	shalt  }
0x73: {  	_ =	shalt  }
0x74: {  	_ =	shalt  }
0x75: {  	_ =	shalt  }
0x76: {  	_ =	shalt  }
0x77: {  	_ =	shalt  }
0x78: {  	_ =	shalt  }
0x79: {  	_ =	shalt  }
0x7a: {  	_ =	shalt  }
0x7b: {  	_ =	shalt  }
0x7c: {  	_ =	shalt  }
0x7d: {  	_ =	shalt  }
0x7e: {  	_ =	shalt  }
0x7f: {  	_ =	shalt  }
0x80: {  	_ =	shalt  }
0x81: {  	_ =	shalt  }
0x82: {  	_ =	shalt  }
0x83: {  	_ =	shalt  }
0x84: {  	_ =	shalt  }
0x85: {  	_ =	shalt  }
0x86: {  	_ =	shalt  }
0x87: {  	_ =	shalt  }
.Lfunc_end0:
.L_simem_size_0:
called_computation.1_lowered:
.L_overlay_start_0:
0x88: {  	s2 =	sld [smem:$0x3FD9]  }
0x89: {  	s3 =	sld [smem:$0x3FFE];
	_ =	sdelay $0x1  }
0x8a: {  	s1 =	srdreg.scid  }
0x8b: {  	s0 =	sand.u32 $0x1, s1  }
0x8c: {  	s14 =	sshll.u32 s0, $0xA;
	s2 =	sadd.s32 s3, s2  }
0x8d: {  	s2 =	sadd.s32 s2, s14  }
0x8e: {  	[smem:$0x3FC3] =	sst s2  }
0x8f: {  	_ = 	snop  }
0x90: {  	s2 =	sld [smem:$0x3FD0];
	_ =	sdelay $0x2  }
0x91: {  	s15 =	simm.s32 $0xA;
	s4 =	simm.s32 $0x10  }
0x92: {  	[smem:s4], [sflag:s15] =	dma.local [hbm:s2], $0x1  }
0x93: {  	_ =	swait.eq [sflag:s15], $0x1  }
0x94: {  	[sflag:s15] =	ssyncset.done $0x0  }
0x95: {  	[sflag:s15] =	ssyncadd.s32 $0xFFFFFFFF  }
0x96: {  	s16 =	sld [smem:$0x10];
	(tm) =	ssettm $0x1  }
0x97: {  	s17 =	sld [smem:$0x3FFB];
	_ =	sdelay $0x3  }
0x98: {  	_ =	strace s17  }
0x99: {  	s3 =	sld [smem:$0x3FFC];
	_ =	sdelay $0x3  }
0x9a: {  	_ =	strace s3  }
0x9b: {  	s3 =	sld [smem:$0x3FFD];
	_ =	sdelay $0x3  }
0x9c: {  	_ =	strace s3  }
0x9d: {  	_ =	strace $0x8FFFFFFF  }
0x9e: {  	s18 =	sld [smem:$0x3FDB];
	_ =	sdelay $0x1  }
0x9f: {  	s19 =	simm.s32 $_scs_section_size  }
0xa0: {  	s5 =	simm.s32 $_size__tile_overlayer_lowered;
	s6 =	simm.s32 $_tile_overlayer_lowered  }
0xa1: {  	s22 =	simm.s32 $0x1BFF;
	s21 =	sshll.u32 s6, $0x1;
	s3 =	sadd.s32 s19, s18  }
0xa2: {  	s7 =	simm.s32 $0x0;
	s20 =	sshll.u32 s5, $0x1;
	s5 =	sadd.s32 s21, s3  }
0xa3: {  	[timem:s7], [sflag:s22] =	dma.local [hbm:s5], s20  }
0xa4: {  	_ =	swait.ge [sflag:s22], s20  }
0xa5: {  	s4 =	ssub.s32 $0x0, s20;
	[sflag:s22] =	ssyncset.done $0x0  }
0xa6: {  	[sflag:s22] =	ssyncadd.s32 s4;
	_ =	sdelay $0x1  }
0xa7: {  	s23 =	simm.s32 $0x1B8B  }
0xa8: {  	_ =	swait.ge [sflag:s23], $0x1  }
0xa9: {  	[sflag:s23] =	ssyncset.done $0x0  }
0xaa: {  	s25 =	simm.s32 $0x1B8E;
	s24 =	sld [smem:$0x3FFE];
	[sflag:s23] =	ssyncadd.s32 $0xFFFFFFFF  }
0xab: {  	s26 =	simm.s32 $execute0_lowered;
	[smem:$0x3FD2] =	sst s25  }
0xac: {  	s5 =	sshll.u32 s26, $0x1;
	_ =	strace $0x80000049;
	[dreg:$0x1] =	wrdreg $0xFFFFFFFF  }
0xad: {  	s28 =	simm.s32 $_size_execute0_lowered;
	s3 =	sadd.s32 s3, s5;
	[dreg:$0x0] =	wrdreg $0x0  }
0xae: {  	s5 =	sshll.u32 s28, $0x1;
	[dreg:$0x2] =	wrdreg s3  }
0xaf: {  	[dreg:$0x3] =	wrdreg s5  }
0xb0: {  	[dreg:$0x4] =	wrdreg $0xC0  }
0xb1: {  	_ =	task [dreg:s7], $0x5FFFF  }
0xb2: {  	[dreg:$0x1] =	wrdreg $0xFFFFFFFF  }
0xb3: {  	[dreg:$0x0] =	wrdreg $0x60  }
0xb4: {  	[dreg:$0x2] =	wrdreg s24  }
0xb5: {  	[dreg:$0x3] =	wrdreg s16  }
0xb6: {  	[dreg:$0x4] =	wrdreg $0x9  }
0xb7: {  	_ =	task.clear_ibuf [dreg:s7], $0x5FFFF;
	_ =	strace $0x90000049  }
0xb8: {  	s29 =	simm.s32 $0x9;
	_ =	strace $0x8000004B  }
0xb9: {  	_ =	swait.ge [sflag:s29], $0x1  }
0xba: {  	[sflag:s29] =	ssyncadd.s32 $0xFFFFFFFF  }
0xbb: {  	_ =	strace $0x9000004B  }
0xbc: {  	_ =	sfence  }
0xbd: {  	s30 =	sld [smem:$0x0];
	_ =	sdelay $0x2  }
0xbe: {  	s31 =	sshll.u32 s1, $0xD;
	s1 =	sshrl.u32 s1, $0x2  }
0xbf: {  	s3 =	sand.u32 $0x4000, s31;
	s1 =	sadd.s32 s1, s30  }
0xc0: {  	s0 =	sor.u32 s3, s0;
	s1 =	sshll.u32 s1, $0x11  }
0xc1: {  	s0 =	sor.u32 s1, s0  }
0xc2: {  	s0 =	sadd.s32 $0x8F2B, s0  }
0xc3: {  	[sflag:s0] =	ssyncadd.remote.s32 $0x1  }
0xc4: {  	_ =	sfence.sel $0xFFFF  }
0xc5: {  	[dreg:$0x0] =	wrdreg $0xFFFFFFFF;
	(pc) =	sbr.abs _section_cstart, $3  }
0xc6: {  	[dreg:$0x1] =	wrdreg $0xFFFFFFFF  }
0xc7: {  	_ =	task.clear_ibuf [dreg:s7], $0x2FFFF;
	_ =	strace $0x9FFFFFFF  }
0xc8: {  	(tm) =	ssettm $0x7FFFFFFF  }
0xc9: {  	_ =	shalt  }
tec
execute0_lowered:
.L_overlay_start_1:
0x0: {  	(tag) =	ssettag $0x1  }
0x1: {  	s2 =	srdreg.scid;
	s1 =	rddreg [dreg:$0x0]  }
0x2: {  	s3 =	rddreg [dreg:$0x1];
	s4 =	sand.u32 $0x1, s2;
	s2 =	simm.s32 $0x0  }
0x3: {  	s22 =	simm.s32 $0x80;
	[smem:$0x7FF] =	sst s2  }
0x4: {  	s23 =	simm.s32 $0x900;
	_ =	strace $0x8000004A;
	[dreg:$0x7] =	wrdreg s22  }
0x5: {  	s24 =	simm.s32 $0x1100;
	[dreg:$0x8] =	wrdreg s23  }
0x6: {  	s25 =	simm.s32 $0x1900;
	[dreg:$0x9] =	wrdreg s24  }
0x7: {  	s0 =	stileid.u32;
	s26 =	simm.s32 $0x2100;
	[dreg:$0xa] =	wrdreg s25  }
0x8: {  	s5 =	sshll.u32 s0, $0x4;
	s0 =	simm.s32 $0x2900;
	[dreg:$0xb] =	wrdreg s26  }
0x9: {  	s8 =	simm.s32 $0x4900;
	[dreg:$0xc] =	wrdreg s0  }
0xa: {  	s9 =	simm.s32 $0x5100;
	[dreg:$0x10] =	wrdreg s8  }
0xb: {  	s10 =	simm.s32 $0x5900;
	[dreg:$0x11] =	wrdreg s9  }
0xc: {  	s11 =	simm.s32 $0x6100;
	s12 =	simm.s32 $0x6900;
	[dreg:$0x12] =	wrdreg s10  }
0xd: {  	s13 =	simm.s32 $0x7100;
	s14 =	simm.s32 $0x7900;
	[dreg:$0x13] =	wrdreg s11  }
0xe: {  	s15 =	simm.s32 $0x8100;
	s16 =	simm.s32 $0x8900;
	[dreg:$0x14] =	wrdreg s12  }
0xf: {  	s17 =	simm.s32 $0x9100;
	s18 =	simm.s32 $0x9900;
	[dreg:$0x15] =	wrdreg s13  }
0x10: {  	s28 =	simm.s32 $0x16900;
	s29 =	simm.s32 $0x17100;
	[dreg:$0x16] =	wrdreg s14  }
0x11: {  	s30 =	simm.s32 $0x17900;
	s31 =	simm.s32 $0x1;
	[dreg:$0x17] =	wrdreg s15  }
0x12: {  	s6 =	sshll.u32 s4, $0x3;
	s4 =	ssub.s32 $0x2, s4;
	[dreg:$0x18] =	wrdreg s16  }
0x13: {  	s5 =	sor.u32 s6, s5;
	[dreg:$0x19] =	wrdreg s17;
	s19 =	sshrl.u32 s4, $0x1  }
0x14: {  	[dreg:$0x1a] =	wrdreg s18;
	s22 =	simm.s32 $0xB100;
	s23 =	simm.s32 $0xB900  }
0x15: {  	s24 =	simm.s32 $0xC900;
	s25 =	simm.s32 $0xD100;
	s8 =	simm.s32 $0x100  }
0x16: {  	s26 =	simm.s32 $0xD900;
	s9 =	simm.s32 $0xC100;
	s11 =	simm.s32 $0xE900  }
0x17: {  	s12 =	simm.s32 $0xF100;
	s13 =	simm.s32 $0xF900;
	[dreg:$0x1d] =	wrdreg s22  }
0x18: {  	s14 =	simm.s32 $0x10100;
	s15 =	simm.s32 $0x10900;
	[dreg:$0x1e] =	wrdreg s23  }
0x19: {  	s16 =	simm.s32 $0x11100;
	s17 =	simm.s32 $0x11900;
	[dreg:$0x1f] =	wrdreg s24  }
0x1a: {  	s18 =	simm.s32 $0x12100;
	s6 =	sadd.s32 s5, s1;
	[smem:$0x7FC] =	sst s25  }
0x1b: {  	s5 =	smul.u32 $0x300, s5;
	[smem:$0x7FD] =	sst s26;
	s7 =	sadd.s32 $0x1E00, s6  }
0x1c: {  	s22 =	simm.s32 $0x14100;
	s6 =	sadd.s32 $0x2000, s6;
	[dreg:$0x3] =	wrdreg s7  }
0x1d: {  	s23 =	simm.s32 $0x14900;
	[dreg:$0x4] =	wrdreg s6;
	s3 =	sadd.s32 s3, s5  }
0x1e: {  	s20 =	sadd.s32 s5, s1;
	s5 =	simm.s32 $0x3100;
	[dreg:$0x5] =	wrdreg s3  }
0x1f: {  	s24 =	simm.s32 $0x15100;
	s6 =	simm.s32 $0x3900;
	[dreg:$0xd] =	wrdreg s5  }
0x20: {  	s25 =	simm.s32 $0x15900;
	s7 =	simm.s32 $0x4100;
	[dreg:$0xe] =	wrdreg s6  }
0x21: {  	s26 =	simm.s32 $0x16100;
	s21 =	sadd.s32 $0x62200, s20;
	[dreg:$0xf] =	wrdreg s7  }
0x22: {  	s3 =	sadd.s32 $0x2200, s1;
	s20 =	simm.s32 $0xA100;
	s6 =	ssub.s32 s4, s19  }
0x23: {  	s4 =	sadd.s32 $0x2300, s1;
	s5 =	sadd.s32 $0x2400, s1;
	s7 =	simm.s32 $0x3  }
0x24: {  	v2 =	vlaneseq.u32;
	s19 =	simm.s32 $0x12900;
	s1 =	simm.s32 $0x2;
	[dreg:$0x6] =	wrdreg s21  }
0x25: {  	vm0 =	vmmov $0xffff;
	v1 =	vshrl.u32 v2, $0x3;
	[dreg:$0x1b] =	wrdreg s20;
	s21 =	simm.s32 $0xA900;
	s6 =	smax.u32 s6, $0x1  }
0x26: {  	v0 =	vand.u32 $0x7, v2;
	v2 =	vor.u32 $0x8, v2;
	v1 =	vmul.u32 $0x8, v1;
	s20 =	simm.s32 $0x13100;
	[dreg:$0x1c] =	wrdreg s21;
	s21 =	simm.s32 $0x13900  }
.LBB2_1:
0x27: {  	s0 =	rddreg [dreg:$0x3]  }
0x28: {  	[tilespmem:s2], [sflag:$0x3] =	stream.linear.gather [hbm4b:s0+s2], $0x40, $0x38;
	[tilespmem:$0x18100] =	vst v63  }
0x29: {  	_ =	swait.ge [sflag:s7], $0x40  }
0x2a: {  	s0 =	rddreg [dreg:$0x4];
	[sflag:s7] =	ssyncset.done $0x0  }
0x2b: {  	s10 =	rddreg [dreg:$0x7];
	[sflag:s7] =	ssyncadd.s32 $0xFFFFFFC0  }
0x2c: {  	[tilespmem:s10], [sflag:$0x3] =	stream.linear.gather [hbm4b:s0+s2], $0x40, $0x38;
	[tilespmem:$0x18100] =	vst v63  }
0x2d: {  	_ =	swait.ge [sflag:s7], $0x40  }
0x2e: {  	[sflag:s7] =	ssyncset.done $0x0  }
0x2f: {  	[sflag:s7] =	ssyncadd.s32 $0xFFFFFFC0  }
0x30: {  	v3 =	vld [tilespmem:$0x0];
	_ =	sdelay $0x4  }
0x31: {  	v4 =	vshrl.u32 v3, $0x3  }
0x32: {  	v4 =	vmul.u32 $0x30, v4  }
0x33: {  	v3 =	vand.u32 $0x7, v3  }
0x34: {  	v3 =	vor.u32 v3, v4  }
0x35: {  	v4 =	vperm.xlane v3, v0;
	_ =	sdelay $0x1  }
0x36: {  	v4 =	vadd.s32 v1, v4;
	_ =	sdelay $0x3  }
0x37: {  	v3 =	vperm.xlane v3, v2  }
0x38: {  	[tilespmem:s8], [sflag:$0x1] =	stream.indirect_vreg.gather [hbm4b:s3+s2], $0x80, v4, vm0, $0xb8;
	[tilespmem:$0x18100] =	vst v63  }
0x39: {  	s0 =	rddreg [dreg:$0x8];
	v3 =	vadd.s32 v1, v3  }
0x3a: {  	[tilespmem:s0], [sflag:$0x1] =	stream.indirect_vreg.gather [hbm4b:s4+s2], $0x80, v4, vm0, $0xb8;
	[tilespmem:$0x18100] =	vst v63  }
0x3b: {  	s10 =	rddreg [dreg:$0x9]  }
0x3c: {  	[tilespmem:s10], [sflag:$0x1] =	stream.indirect_vreg.gather [hbm4b:s5+s2], $0x80, v4, vm0, $0xb8;
	[tilespmem:$0x18100] =	vst v63  }
0x3d: {  	s0 =	rddreg [dreg:$0xa]  }
0x3e: {  	[tilespmem:s0], [sflag:$0x1] =	stream.indirect_vreg.gather [hbm4b:s3+s2], $0x80, v3, vm0, $0xb8;
	[tilespmem:$0x18100] =	vst v63  }
0x3f: {  	s10 =	rddreg [dreg:$0xb]  }
0x40: {  	[tilespmem:s10], [sflag:$0x1] =	stream.indirect_vreg.gather [hbm4b:s4+s2], $0x80, v3, vm0, $0xb8;
	[tilespmem:$0x18100] =	vst v63  }
0x41: {  	s0 =	rddreg [dreg:$0xc]  }
0x42: {  	[tilespmem:s0], [sflag:$0x1] =	stream.indirect_vreg.gather [hbm4b:s5+s2], $0x80, v3, vm0, $0xb8;
	[tilespmem:$0x18100] =	vst v63  }
0x43: {  	v3 =	vld [tilespmem:$0x10];
	_ =	sdelay $0x4  }
0x44: {  	v57 =	vshrl.u32 v3, $0x3  }
0x45: {  	v4 =	vmul.u32 $0x30, v57  }
0x46: {  	v3 =	vand.u32 $0x7, v3  }
0x47: {  	v3 =	vor.u32 v3, v4  }
0x48: {  	v4 =	vperm.xlane v3, v0;
	_ =	sdelay $0x1  }
0x49: {  	v4 =	vadd.s32 v1, v4;
	_ =	sdelay $0x3  }
0x4a: {  	s0 =	rddreg [dreg:$0xd];
	v3 =	vperm.xlane v3, v2  }
0x4b: {  	[tilespmem:s0], [sflag:$0x1] =	stream.indirect_vreg.gather [hbm4b:s3+s2], $0x80, v4, vm0, $0xb8;
	[tilespmem:$0x18100] =	vst v63  }
0x4c: {  	s10 =	rddreg [dreg:$0xe];
	v3 =	vadd.s32 v1, v3  }
0x4d: {  	[tilespmem:s10], [sflag:$0x1] =	stream.indirect_vreg.gather [hbm4b:s4+s2], $0x80, v4, vm0, $0xb8;
	[tilespmem:$0x18100] =	vst v63  }
0x4e: {  	s0 =	rddreg [dreg:$0xf]  }
0x4f: {  	[tilespmem:s0], [sflag:$0x1] =	stream.indirect_vreg.gather [hbm4b:s5+s2], $0x80, v4, vm0, $0xb8;
	[tilespmem:$0x18100] =	vst v63  }
0x50: {  	s10 =	rddreg [dreg:$0x10]  }
0x51: {  	[tilespmem:s10], [sflag:$0x1] =	stream.indirect_vreg.gather [hbm4b:s3+s2], $0x80, v3, vm0, $0xb8;
	[tilespmem:$0x18100] =	vst v63  }
0x52: {  	s0 =	rddreg [dreg:$0x11]  }
0x53: {  	[tilespmem:s0], [sflag:$0x1] =	stream.indirect_vreg.gather [hbm4b:s4+s2], $0x80, v3, vm0, $0xb8;
	[tilespmem:$0x18100] =	vst v63  }
0x54: {  	s10 =	rddreg [dreg:$0x12]  }
0x55: {  	[tilespmem:s10], [sflag:$0x1] =	stream.indirect_vreg.gather [hbm4b:s5+s2], $0x80, v3, vm0, $0xb8;
	[tilespmem:$0x18100] =	vst v63  }
0x56: {  	v3 =	vld [tilespmem:$0x20];
	_ =	sdelay $0x4  }
0x57: {  	v58 =	vshrl.u32 v3, $0x3  }
0x58: {  	v4 =	vmul.u32 $0x30, v58  }
0x59: {  	v3 =	vand.u32 $0x7, v3  }
0x5a: {  	v3 =	vor.u32 v3, v4  }
0x5b: {  	v4 =	vperm.xlane v3, v0;
	_ =	sdelay $0x1  }
0x5c: {  	v4 =	vadd.s32 v1, v4;
	_ =	sdelay $0x3  }
0x5d: {  	s0 =	rddreg [dreg:$0x13];
	v3 =	vperm.xlane v3, v2  }
0x5e: {  	[tilespmem:s0], [sflag:$0x1] =	stream.indirect_vreg.gather [hbm4b:s3+s2], $0x80, v4, vm0, $0xb8;
	[tilespmem:$0x18100] =	vst v63  }
0x5f: {  	s10 =	rddreg [dreg:$0x14];
	v3 =	vadd.s32 v1, v3  }
0x60: {  	[tilespmem:s10], [sflag:$0x1] =	stream.indirect_vreg.gather [hbm4b:s4+s2], $0x80, v4, vm0, $0xb8;
	[tilespmem:$0x18100] =	vst v63  }
0x61: {  	s0 =	rddreg [dreg:$0x15]  }
0x62: {  	[tilespmem:s0], [sflag:$0x1] =	stream.indirect_vreg.gather [hbm4b:s5+s2], $0x80, v4, vm0, $0xb8;
	[tilespmem:$0x18100] =	vst v63  }
0x63: {  	s10 =	rddreg [dreg:$0x16]  }
0x64: {  	[tilespmem:s10], [sflag:$0x1] =	stream.indirect_vreg.gather [hbm4b:s3+s2], $0x80, v3, vm0, $0xb8;
	[tilespmem:$0x18100] =	vst v63  }
0x65: {  	s0 =	rddreg [dreg:$0x17]  }
0x66: {  	[tilespmem:s0], [sflag:$0x1] =	stream.indirect_vreg.gather [hbm4b:s4+s2], $0x80, v3, vm0, $0xb8;
	[tilespmem:$0x18100] =	vst v63  }
0x67: {  	s10 =	rddreg [dreg:$0x18]  }
0x68: {  	[tilespmem:s10], [sflag:$0x1] =	stream.indirect_vreg.gather [hbm4b:s5+s2], $0x80, v3, vm0, $0xb8;
	[tilespmem:$0x18100] =	vst v63  }
0x69: {  	v3 =	vld [tilespmem:$0x30];
	_ =	sdelay $0x4  }
0x6a: {  	v59 =	vshrl.u32 v3, $0x3  }
0x6b: {  	v4 =	vmul.u32 $0x30, v59  }
0x6c: {  	v3 =	vand.u32 $0x7, v3  }
0x6d: {  	v3 =	vor.u32 v3, v4  }
0x6e: {  	v4 =	vperm.xlane v3, v0;
	_ =	sdelay $0x1  }
0x6f: {  	v4 =	vadd.s32 v1, v4;
	_ =	sdelay $0x3  }
0x70: {  	s0 =	rddreg [dreg:$0x19];
	v3 =	vperm.xlane v3, v2  }
0x71: {  	[tilespmem:s0], [sflag:$0x1] =	stream.indirect_vreg.gather [hbm4b:s3+s2], $0x80, v4, vm0, $0xb8;
	[tilespmem:$0x18100] =	vst v63  }
0x72: {  	s10 =	rddreg [dreg:$0x1a];
	v3 =	vadd.s32 v1, v3  }
0x73: {  	[tilespmem:s10], [sflag:$0x1] =	stream.indirect_vreg.gather [hbm4b:s4+s2], $0x80, v4, vm0, $0xb8;
	[tilespmem:$0x18100] =	vst v63  }
0x74: {  	s0 =	rddreg [dreg:$0x1b]  }
0x75: {  	[tilespmem:s0], [sflag:$0x1] =	stream.indirect_vreg.gather [hbm4b:s5+s2], $0x80, v4, vm0, $0xb8;
	[tilespmem:$0x18100] =	vst v63  }
0x76: {  	s10 =	rddreg [dreg:$0x1c]  }
0x77: {  	[tilespmem:s10], [sflag:$0x1] =	stream.indirect_vreg.gather [hbm4b:s3+s2], $0x80, v3, vm0, $0xb8;
	[tilespmem:$0x18100] =	vst v63  }
0x78: {  	s0 =	rddreg [dreg:$0x1d]  }
0x79: {  	[tilespmem:s0], [sflag:$0x1] =	stream.indirect_vreg.gather [hbm4b:s4+s2], $0x80, v3, vm0, $0xb8;
	[tilespmem:$0x18100] =	vst v63  }
0x7a: {  	s10 =	rddreg [dreg:$0x1e]  }
0x7b: {  	[tilespmem:s10], [sflag:$0x1] =	stream.indirect_vreg.gather [hbm4b:s5+s2], $0x80, v3, vm0, $0xb8;
	[tilespmem:$0x18100] =	vst v63  }
0x7c: {  	v3 =	vld [tilespmem:$0x80];
	_ =	sdelay $0x4  }
0x7d: {  	v60 =	vshrl.u32 v3, $0x3  }
0x7e: {  	v4 =	vmul.u32 $0x30, v60  }
0x7f: {  	v3 =	vand.u32 $0x7, v3  }
0x80: {  	v3 =	vor.u32 v3, v4  }
0x81: {  	v4 =	vperm.xlane v3, v0;
	_ =	sdelay $0x1  }
0x82: {  	v4 =	vadd.s32 v1, v4;
	_ =	sdelay $0x3  }
0x83: {  	s0 =	rddreg [dreg:$0x1f];
	v3 =	vperm.xlane v3, v2  }
0x84: {  	[tilespmem:s9], [sflag:$0x2] =	stream.indirect_vreg.gather [hbm4b:s3+s2], $0x80, v4, vm0, $0xb8;
	[tilespmem:$0x18100] =	vst v63  }
0x85: {  	s10 =	sld [smem:$0x7FC];
	v3 =	vadd.s32 v1, v3  }
0x86: {  	[tilespmem:s0], [sflag:$0x2] =	stream.indirect_vreg.gather [hbm4b:s4+s2], $0x80, v4, vm0, $0xb8;
	[tilespmem:$0x18100] =	vst v63  }
0x87: {  	s0 =	sld [smem:$0x7FD]  }
0x88: {  	[tilespmem:s10], [sflag:$0x2] =	stream.indirect_vreg.gather [hbm4b:s5+s2], $0x80, v4, vm0, $0xb8;
	[tilespmem:$0x18100] =	vst v63  }
0x89: {  	_ = 	snop  }
0x8a: {  	[tilespmem:s0], [sflag:$0x2] =	stream.indirect_vreg.gather [hbm4b:s3+s2], $0x80, v3, vm0, $0xb8;
	[tilespmem:$0x18100] =	vst v63  }
0x8b: {  	s10 =	simm.s32 $0xE100  }
0x8c: {  	[tilespmem:s10], [sflag:$0x2] =	stream.indirect_vreg.gather [hbm4b:s4+s2], $0x80, v3, vm0, $0xb8;
	[tilespmem:$0x18100] =	vst v63  }
0x8d: {  	_ = 	snop  }
0x8e: {  	[tilespmem:s11], [sflag:$0x2] =	stream.indirect_vreg.gather [hbm4b:s5+s2], $0x80, v3, vm0, $0xb8;
	[tilespmem:$0x18100] =	vst v63  }
0x8f: {  	v3 =	vld [tilespmem:$0x90];
	_ =	sdelay $0x4  }
0x90: {  	v61 =	vshrl.u32 v3, $0x3  }
0x91: {  	v4 =	vmul.u32 $0x30, v61  }
0x92: {  	v3 =	vand.u32 $0x7, v3  }
0x93: {  	v3 =	vor.u32 v3, v4  }
0x94: {  	v4 =	vperm.xlane v3, v0;
	_ =	sdelay $0x1  }
0x95: {  	v4 =	vadd.s32 v1, v4;
	_ =	sdelay $0x3  }
0x96: {  	v3 =	vperm.xlane v3, v2  }
0x97: {  	[tilespmem:s12], [sflag:$0x2] =	stream.indirect_vreg.gather [hbm4b:s3+s2], $0x80, v4, vm0, $0xb8;
	[tilespmem:$0x18100] =	vst v63  }
0x98: {  	v3 =	vadd.s32 v1, v3  }
0x99: {  	[tilespmem:s13], [sflag:$0x2] =	stream.indirect_vreg.gather [hbm4b:s4+s2], $0x80, v4, vm0, $0xb8;
	[tilespmem:$0x18100] =	vst v63  }
0x9a: {  	_ = 	snop  }
0x9b: {  	[tilespmem:s14], [sflag:$0x2] =	stream.indirect_vreg.gather [hbm4b:s5+s2], $0x80, v4, vm0, $0xb8;
	[tilespmem:$0x18100] =	vst v63  }
0x9c: {  	_ = 	snop  }
0x9d: {  	[tilespmem:s15], [sflag:$0x2] =	stream.indirect_vreg.gather [hbm4b:s3+s2], $0x80, v3, vm0, $0xb8;
	[tilespmem:$0x18100] =	vst v63  }
0x9e: {  	_ = 	snop  }
0x9f: {  	[tilespmem:s16], [sflag:$0x2] =	stream.indirect_vreg.gather [hbm4b:s4+s2], $0x80, v3, vm0, $0xb8;
	[tilespmem:$0x18100] =	vst v63  }
0xa0: {  	_ = 	snop  }
0xa1: {  	[tilespmem:s17], [sflag:$0x2] =	stream.indirect_vreg.gather [hbm4b:s5+s2], $0x80, v3, vm0, $0xb8;
	[tilespmem:$0x18100] =	vst v63  }
0xa2: {  	v3 =	vld [tilespmem:$0xA0];
	_ =	sdelay $0x4  }
0xa3: {  	v62 =	vshrl.u32 v3, $0x3  }
0xa4: {  	v4 =	vmul.u32 $0x30, v62  }
0xa5: {  	v3 =	vand.u32 $0x7, v3  }
0xa6: {  	v3 =	vor.u32 v3, v4  }
0xa7: {  	v4 =	vperm.xlane v3, v0;
	_ =	sdelay $0x1  }
0xa8: {  	v4 =	vadd.s32 v1, v4;
	_ =	sdelay $0x3  }
0xa9: {  	v3 =	vperm.xlane v3, v2  }
0xaa: {  	[tilespmem:s18], [sflag:$0x2] =	stream.indirect_vreg.gather [hbm4b:s3+s2], $0x80, v4, vm0, $0xb8;
	[tilespmem:$0x18100] =	vst v63  }
0xab: {  	v3 =	vadd.s32 v1, v3  }
0xac: {  	[tilespmem:s19], [sflag:$0x2] =	stream.indirect_vreg.gather [hbm4b:s4+s2], $0x80, v4, vm0, $0xb8;
	[tilespmem:$0x18100] =	vst v63  }
0xad: {  	_ = 	snop  }
0xae: {  	[tilespmem:s20], [sflag:$0x2] =	stream.indirect_vreg.gather [hbm4b:s5+s2], $0x80, v4, vm0, $0xb8;
	[tilespmem:$0x18100] =	vst v63  }
0xaf: {  	_ = 	snop  }
0xb0: {  	[tilespmem:s21], [sflag:$0x2] =	stream.indirect_vreg.gather [hbm4b:s3+s2], $0x80, v3, vm0, $0xb8;
	[tilespmem:$0x18100] =	vst v63  }
0xb1: {  	_ = 	snop  }
0xb2: {  	[tilespmem:s22], [sflag:$0x2] =	stream.indirect_vreg.gather [hbm4b:s4+s2], $0x80, v3, vm0, $0xb8;
	[tilespmem:$0x18100] =	vst v63  }
0xb3: {  	_ = 	snop  }
0xb4: {  	[tilespmem:s23], [sflag:$0x2] =	stream.indirect_vreg.gather [hbm4b:s5+s2], $0x80, v3, vm0, $0xb8;
	[tilespmem:$0x18100] =	vst v63  }
0xb5: {  	v3 =	vld [tilespmem:$0xB0];
	_ =	sdelay $0x4  }
0xb6: {  	v63 =	vshrl.u32 v3, $0x3  }
0xb7: {  	v4 =	vmul.u32 $0x30, v63  }
0xb8: {  	v3 =	vand.u32 $0x7, v3  }
0xb9: {  	v3 =	vor.u32 v3, v4  }
0xba: {  	v4 =	vperm.xlane v3, v0;
	_ =	sdelay $0x1  }
0xbb: {  	v4 =	vadd.s32 v1, v4;
	_ =	sdelay $0x3  }
0xbc: {  	v3 =	vperm.xlane v3, v2  }
0xbd: {  	[tilespmem:s24], [sflag:$0x2] =	stream.indirect_vreg.gather [hbm4b:s3+s2], $0x80, v4, vm0, $0xb8;
	[tilespmem:$0x18100] =	vst v63  }
0xbe: {  	v3 =	vadd.s32 v1, v3  }
0xbf: {  	[tilespmem:s25], [sflag:$0x2] =	stream.indirect_vreg.gather [hbm4b:s4+s2], $0x80, v4, vm0, $0xb8;
	[tilespmem:$0x18100] =	vst v63  }
0xc0: {  	_ = 	snop  }
0xc1: {  	[tilespmem:s26], [sflag:$0x2] =	stream.indirect_vreg.gather [hbm4b:s5+s2], $0x80, v4, vm0, $0xb8;
	[tilespmem:$0x18100] =	vst v63  }
0xc2: {  	_ = 	snop  }
0xc3: {  	[tilespmem:s28], [sflag:$0x2] =	stream.indirect_vreg.gather [hbm4b:s3+s2], $0x80, v3, vm0, $0xb8;
	[tilespmem:$0x18100] =	vst v63  }
0xc4: {  	_ = 	snop  }
0xc5: {  	[tilespmem:s29], [sflag:$0x2] =	stream.indirect_vreg.gather [hbm4b:s4+s2], $0x80, v3, vm0, $0xb8;
	[tilespmem:$0x18100] =	vst v63  }
0xc6: {  	_ = 	snop  }
0xc7: {  	[tilespmem:s30], [sflag:$0x2] =	stream.indirect_vreg.gather [hbm4b:s5+s2], $0x80, v3, vm0, $0xb8;
	[tilespmem:$0x18100] =	vst v63  }
0xc8: {  	_ =	swait.ge [sflag:s31], $0xC000  }
0xc9: {  	[sflag:s31] =	ssyncset.done $0x0  }
0xca: {  	[sflag:s31] =	ssyncadd.s32 $0xFFFF4000  }
0xcb: {  	_ =	swait.ge [sflag:s1], $0xC000  }
0xcc: {  	[sflag:s1] =	ssyncset.done $0x0  }
0xcd: {  	s10 =	rddreg [dreg:$0x5];
	[sflag:s1] =	ssyncadd.s32 $0xFFFF4000  }
0xce: {  	[hbm4b:s10+s2] =	stream.linear.scatter [tilespmem:s8], [sflag:$0x3], $0xC000, $0x38;
	[tilespmem:$0x18100] =	vst v63  }
0xcf: {  	_ =	swait.ge [sflag:s7], $0xC000  }
0xd0: {  	p0 =	sne.s32 s6, $0x1;
	[sflag:s7] =	ssyncset.done $0x0  }
.Ltmp0:
0xd1: {  	s10 =	rddreg [dreg:$0x6];
	[sflag:s7] =	ssyncadd.s32 $0xFFFF4000;
	(pc) =	sbr.rel @p0 .LBB2_1-.Ltmp0, $4  }
0xd2: {  	[hbm4b:s10+s2] =	stream.linear.scatter [tilespmem:s9], [sflag:$0x3], $0xC000, $0x38;
	[tilespmem:$0x18100] =	vst v63  }
0xd3: {  	_ =	swait.ge [sflag:s7], $0xC000  }
0xd4: {  	[sflag:s7] =	ssyncset.done $0x0  }
0xd5: {  	s6 =	sadd.s32 $0xFFFFFFFF, s6;
	[sflag:s7] =	ssyncadd.s32 $0xFFFF4000  }
0xd6: {  	_ =	sfence.sel $0x180000  }
0xd7: {  	[bflag:$0x0] =	sbarrier.arrive $0xFFFF  }
0xd8: {  	_ =	strace $0x9000004A  }
0xd9: {  	s0 =	stileid.u32;
	[bflag:$0x2] =	sbarrier.arrive $0xFFFF  }
0xda: {  	p0 =	sne.s32 s0, $0x0;
	s0 =	rddreg [dreg:$0x2]  }
0xdb: {  	s0 =	sadd.s32 @!p0 $0x100000, s0  }
0xdc: {  	[sflag:s0] =	ssyncadd.tile.s32 @!p0 $0x1;
	_ =	shalt  }
.Lfunc_end2:
_tile_overlayer_lowered:
.L_overlay_start_2:
0xdd: {  	(tag) =	ssettag $0x2  }
0xde: {  	s0 =	rddreg [dreg:$0x0];
	s2 =	stileid.u32  }
0xdf: {  	s1 =	rddreg [dreg:$0x1];
	p0 =	sne.s32 s2, $0x0  }
0xe0: {  	s3 =	rddreg [dreg:$0x2];
	[bflag:$0x3] =	sbarrier.arrive $0xFFFF;
	s2 =	simm.s32 @!p0 $0x1C03  }
0xe1: {  	[timem:s3], [sflag:s2] =	dma.local @!p0 [hbm:s0], s1  }
0xe2: {  	s0 =	simm.s32 @!p0 $0x3  }
0xe3: {  	_ =	swait.ge @!p0 [sflag:s0], s1  }
0xe4: {  	s1 =	ssub.s32 @!p0 $0x0, s1;
	[sflag:s0] =	ssyncset.done @!p0 $0x0  }
0xe5: {  	[sflag:s0] =	ssyncadd.s32 @!p0 s1  }
0xe6: {  	[bflag:$0x3] =	sbarrier.arrive $0xFFFF  }
0xe7: {  	_ =	shalt  }

// kernel: kernel.7.cloned.1.call-start
scs
__scs_entry_jumppad:
0x0: {  	(pc) =	sbr.rel $0x88, $3  }
0x1: {  	(tag) =	ssettag $0x0;
	lr =	simm.s32 $0x1  }
0x2: {  	[smem:$0x3F9C] =	sst lr;
	_ =	strace $0xD0000000  }
0x3: {  	_ = 	snop  }
0x4: {  	_ = 	snop  }
0x5: {  	_ = 	snop  }
0x6: {  	_ = 	snop  }
0x7: {  	_ = 	snop  }
__scs_overlays_trampoline_lowered:
0x8: {  	[smem:$0x3FAB] =	sst s0  }
0x9: {  	[smem:$0x3FAC] =	sst s1  }
0xa: {  	[smem:$0x3FAD] =	sst s2  }
0xb: {  	[smem:$0x3FAE] =	sst s3  }
0xc: {  	[smem:$0x3FAF] =	sst s4  }
0xd: {  	[smem:$0x3FB0] =	sst s5  }
0xe: {  	[smem:$0x3FB1] =	sst s6  }
0xf: {  	[smem:$0x3FB2] =	sst s7  }
0x10: {  	[smem:$0x3FB3] =	sst s8  }
0x11: {  	[smem:$0x3FB4] =	sst s9;
	s0 =	simm.s32 @!p0 $0x0  }
0x12: {  	s1 =	sld [smem:$0x3F9A];
	s0 =	simm.s32 @p0 $0x1  }
0x13: {  	[smem:$0x3FB5] =	sst s0;
	s0 =	simm.s32 @!p1 $0x0  }
0x14: {  	s2 =	sld [smem:$0x3F99];
	s0 =	simm.s32 @p1 $0x1  }
0x15: {  	[smem:$0x3FB6] =	sst s0;
	s0 =	simm.s32 @!p2 $0x0  }
0x16: {  	s3 =	sld [smem:$0x3FDB];
	s0 =	simm.s32 @p2 $0x1  }
0x17: {  	s4 =	simm.s32 $0x1BF5;
	[smem:$0x3FB8] =	sst s0  }
0x18: {  	s0 =	sld [smem:$0x3F9B];
	_ =	swait.ge [sflag:s4], $0x0  }
0x19: {  	s7 =	sld [smem:$0x3F9C]  }
0x1a: {  	s8 =	sadd.s32 $0xFFFFE003, lr  }
0x1b: {  	s9 =	sadd.s32 $0xFFFFFEF7, lr;
	s5 =	simm.s32 $0xFFFFFFFF;
	p2 =	slt.u32 s8, $0xFFFFF086  }
0x1c: {  	p1 =	slt.u32 s9, $0xF7A;
	s5 =	simm.s32 @!p2 $0x0  }
0x1d: {  	s5 =	simm.s32 @p1 $0x1;
	p0 =	seq.s32 s7, s2  }
0x1e: {  	s7 =	smul.u32 @!p0 $0xF7A, s2;
	p2 =	seq.s32 @!p0 s5, $0x0  }
0x1f: {  	s9 =	smul.u32 $0xF7A, s1;
	s8 =	simm.s32 @!p0 $0x1BF5;
	p2 =	por !p2, p0  }
0x20: {  	[sflag:s8] =	ssyncset.s32 @!p0 $0xFFFFF086;
	s6 =	sadd.s32 @!p0 s3, s7;
	s7 =	simm.s32 @!p0 $0x108  }
0x21: {  	s3 =	sadd.s32 s3, s9;
	s6 =	sadd.s32 @!p0 $0x88, s6;
	s7 =	simm.s32 @p2 $0x1082  }
0x22: {  	[simem:s7], [sflag:s8] =	dma.local @!p0 [hbm:s6], $0xF7A  }
0x23: {  	s9 =	sor.u32 $0xD0000000, s2;
	s6 =	simm.s32 $0x108;
	_ =	swait.ge @!p0 [sflag:s8], $0x0  }
0x24: {  	s3 =	sadd.s32 $0x88, s3;
	s6 =	simm.s32 @!p1 $0x1082;
	[sflag:s4] =	ssyncset.s32 $0xFFFFF086  }
0x25: {  	[simem:s6], [sflag:s4] =	dma.local [hbm:s3], $0xF7A  }
0x26: {  	[smem:$0x3F9C] =	sst s1;
	(tag) =	ssettag s2;
	_ =	strace s9  }
0x27: {  	s1 =	sld [smem:$0x3FAC]  }
0x28: {  	s2 =	sld [smem:$0x3FAD]  }
0x29: {  	s4 =	sld [smem:$0x3FAF]  }
0x2a: {  	p0 =	seq.s32 s5, $0x0;
	s5 =	sld [smem:$0x3FB0]  }
0x2b: {  	s6 =	sld [smem:$0x3FB1]  }
0x2c: {  	s7 =	sld [smem:$0x3FB2]  }
0x2d: {  	s3 =	simm.s32 $0x108;
	s8 =	sld [smem:$0x3FB3]  }
0x2e: {  	s3 =	simm.s32 @!p0 $0x1082;
	s9 =	sld [smem:$0x3FB4]  }
0x2f: {  	lr =	sadd.s32 s0, s3;
	s0 =	sld [smem:$0x3FAB]  }
0x30: {  	s3 =	sld [smem:$0x3FAE]  }
0x31: {  	[smem:$0x3FB7] =	sst s10  }
0x32: {  	s10 =	sld [smem:$0x3FB5];
	_ =	sdelay $0x3  }
0x33: {  	p0 =	seq.s32 s10, $0x1;
	s10 =	sld [smem:$0x3FB7];
	_ =	sdelay $0x3  }
0x34: {  	[smem:$0x3FB7] =	sst s10  }
0x35: {  	s10 =	sld [smem:$0x3FB6];
	_ =	sdelay $0x3  }
0x36: {  	p1 =	seq.s32 s10, $0x1;
	s10 =	sld [smem:$0x3FB7];
	_ =	sdelay $0x3  }
0x37: {  	[smem:$0x3FB7] =	sst s10  }
0x38: {  	s10 =	sld [smem:$0x3FB8]  }
0x39: {  	_ = 	snop;
	(pc) =	sbr.ind lr, $3  }
0x3a: {  	_ = 	snop  }
0x3b: {  	_ = 	snop  }
0x3c: {  	p2 =	seq.s32 s10, $0x1;
	s10 =	sld [smem:$0x3FB7]  }
0x3d: {  	_ =	shalt  }
0x3e: {  	_ =	shalt  }
0x3f: {  	_ =	shalt  }
0x40: {  	_ =	shalt  }
0x41: {  	_ =	shalt  }
0x42: {  	_ =	shalt  }
0x43: {  	_ =	shalt  }
0x44: {  	_ =	shalt  }
0x45: {  	_ =	shalt  }
0x46: {  	_ =	shalt  }
0x47: {  	_ =	shalt  }
0x48: {  	_ =	shalt  }
0x49: {  	_ =	shalt  }
0x4a: {  	_ =	shalt  }
0x4b: {  	_ =	shalt  }
0x4c: {  	_ =	shalt  }
0x4d: {  	_ =	shalt  }
0x4e: {  	_ =	shalt  }
0x4f: {  	_ =	shalt  }
0x50: {  	_ =	shalt  }
0x51: {  	_ =	shalt  }
0x52: {  	_ =	shalt  }
0x53: {  	_ =	shalt  }
0x54: {  	_ =	shalt  }
0x55: {  	_ =	shalt  }
0x56: {  	_ =	shalt  }
0x57: {  	_ =	shalt  }
0x58: {  	_ =	shalt  }
0x59: {  	_ =	shalt  }
0x5a: {  	_ =	shalt  }
0x5b: {  	_ =	shalt  }
0x5c: {  	_ =	shalt  }
0x5d: {  	_ =	shalt  }
0x5e: {  	_ =	shalt  }
0x5f: {  	_ =	shalt  }
0x60: {  	_ =	shalt  }
0x61: {  	_ =	shalt  }
0x62: {  	_ =	shalt  }
0x63: {  	_ =	shalt  }
0x64: {  	_ =	shalt  }
0x65: {  	_ =	shalt  }
0x66: {  	_ =	shalt  }
0x67: {  	_ =	shalt  }
0x68: {  	_ =	shalt  }
0x69: {  	_ =	shalt  }
0x6a: {  	_ =	shalt  }
0x6b: {  	_ =	shalt  }
0x6c: {  	_ =	shalt  }
0x6d: {  	_ =	shalt  }
0x6e: {  	_ =	shalt  }
0x6f: {  	_ =	shalt  }
0x70: {  	_ =	shalt  }
0x71: {  	_ =	shalt  }
0x72: {  	_ =	shalt  }
0x73: {  	_ =	shalt  }
0x74: {  	_ =	shalt  }
0x75: {  	_ =	shalt  }
0x76: {  	_ =	shalt  }
0x77: {  	_ =	shalt  }
0x78: {  	_ =	shalt  }
0x79: {  	_ =	shalt  }
0x7a: {  	_ =	shalt  }
0x7b: {  	_ =	shalt  }
0x7c: {  	_ =	shalt  }
0x7d: {  	_ =	shalt  }
0x7e: {  	_ =	shalt  }
0x7f: {  	_ =	shalt  }
0x80: {  	_ =	shalt  }
0x81: {  	_ =	shalt  }
0x82: {  	_ =	shalt  }
0x83: {  	_ =	shalt  }
0x84: {  	_ =	shalt  }
0x85: {  	_ =	shalt  }
0x86: {  	_ =	shalt  }
0x87: {  	_ =	shalt  }
.Lfunc_end0:
.L_simem_size_0:
called_computation_lowered:
.L_overlay_start_0:
0x88: {  	s2 =	sld [smem:$0x3FD9]  }
0x89: {  	s3 =	sld [smem:$0x3FFE];
	_ =	sdelay $0x1  }
0x8a: {  	s1 =	srdreg.scid  }
0x8b: {  	s0 =	sand.u32 $0x1, s1  }
0x8c: {  	s17 =	sshll.u32 s0, $0xA;
	s2 =	sadd.s32 s3, s2  }
0x8d: {  	s2 =	sadd.s32 s2, s17  }
0x8e: {  	[smem:$0x3FC3] =	sst s2  }
0x8f: {  	_ = 	snop  }
0x90: {  	s2 =	sld [smem:$0x3FC9];
	(tm) =	ssettm $0x1  }
0x91: {  	s18 =	sld [smem:$0x3FFB];
	_ =	sdelay $0x3  }
0x92: {  	_ =	strace s18  }
0x93: {  	s3 =	sld [smem:$0x3FFC];
	_ =	sdelay $0x3  }
0x94: {  	_ =	strace s3  }
0x95: {  	s3 =	sld [smem:$0x3FFD];
	_ =	sdelay $0x3  }
0x96: {  	_ =	strace s3  }
0x97: {  	_ =	strace $0x8FFFFFFF  }
0x98: {  	s19 =	sld [smem:$0x3FDB];
	_ =	sdelay $0x1  }
0x99: {  	s4 =	simm.s32 $_scs_section_size  }
0x9a: {  	s5 =	simm.s32 $_size__tile_overlayer_lowered;
	s6 =	simm.s32 $_tile_overlayer_lowered  }
0x9b: {  	s22 =	simm.s32 $0x1BFF;
	s21 =	sshll.u32 s6, $0x1;
	s3 =	sadd.s32 s4, s19  }
0x9c: {  	s7 =	simm.s32 $0x0;
	s20 =	sshll.u32 s5, $0x1;
	s5 =	sadd.s32 s21, s3  }
0x9d: {  	[timem:s7], [sflag:s22] =	dma.local [hbm:s5], s20  }
0x9e: {  	_ =	swait.ge [sflag:s22], s20  }
0x9f: {  	s4 =	ssub.s32 $0x0, s20;
	[sflag:s22] =	ssyncset.done $0x0  }
0xa0: {  	[sflag:s22] =	ssyncadd.s32 s4;
	_ =	sdelay $0x1  }
0xa1: {  	s23 =	simm.s32 $0x1B8B  }
0xa2: {  	_ =	swait.ge [sflag:s23], $0x1  }
0xa3: {  	[sflag:s23] =	ssyncset.done $0x0  }
0xa4: {  	s25 =	simm.s32 $0x1B8E;
	s24 =	sld [smem:$0x3FFE];
	[sflag:s23] =	ssyncadd.s32 $0xFFFFFFFF  }
0xa5: {  	s26 =	simm.s32 $execute0_lowered;
	[smem:$0x3FD2] =	sst s25  }
0xa6: {  	s5 =	sshll.u32 s26, $0x1;
	_ =	strace $0x80000046;
	[dreg:$0x1] =	wrdreg $0xFFFFFFFF  }
0xa7: {  	s28 =	simm.s32 $_size_execute0_lowered;
	s3 =	sadd.s32 s3, s5;
	[dreg:$0x0] =	wrdreg $0x0  }
0xa8: {  	s5 =	sshll.u32 s28, $0x1;
	[dreg:$0x2] =	wrdreg s3  }
0xa9: {  	[dreg:$0x3] =	wrdreg s5  }
0xaa: {  	[dreg:$0x4] =	wrdreg $0xC0  }
0xab: {  	_ =	task [dreg:s7], $0x5FFFF  }
0xac: {  	[dreg:$0x1] =	wrdreg $0xFFFFFFFF  }
0xad: {  	[dreg:$0x0] =	wrdreg $0x60  }
0xae: {  	[dreg:$0x2] =	wrdreg s2  }
0xaf: {  	[dreg:$0x3] =	wrdreg s24  }
0xb0: {  	[dreg:$0x4] =	wrdreg $0x9  }
0xb1: {  	_ =	task.clear_ibuf [dreg:s7], $0x5FFFF;
	_ =	strace $0x90000046  }
0xb2: {  	s29 =	simm.s32 $0x9;
	_ =	strace $0x80000048  }
0xb3: {  	_ =	swait.ge [sflag:s29], $0x1  }
0xb4: {  	[sflag:s29] =	ssyncadd.s32 $0xFFFFFFFF  }
0xb5: {  	_ =	strace $0x90000048  }
0xb6: {  	_ =	sfence  }
0xb7: {  	s30 =	sld [smem:$0x0];
	_ =	sdelay $0x2  }
0xb8: {  	s31 =	sshll.u32 s1, $0xD;
	s1 =	sshrl.u32 s1, $0x2  }
0xb9: {  	s3 =	sand.u32 $0x4000, s31;
	s1 =	sadd.s32 s1, s30  }
0xba: {  	s0 =	sor.u32 s3, s0;
	s1 =	sshll.u32 s1, $0x11  }
0xbb: {  	s0 =	sor.u32 s1, s0  }
0xbc: {  	s0 =	sadd.s32 $0x8F2B, s0  }
0xbd: {  	[sflag:s0] =	ssyncadd.remote.s32 $0x1  }
0xbe: {  	_ =	sfence.sel $0xFFFF  }
0xbf: {  	[dreg:$0x0] =	wrdreg $0xFFFFFFFF;
	(pc) =	sbr.abs _section_cstart, $3  }
0xc0: {  	[dreg:$0x1] =	wrdreg $0xFFFFFFFF  }
0xc1: {  	_ =	task.clear_ibuf [dreg:s7], $0x2FFFF;
	_ =	strace $0x9FFFFFFF  }
0xc2: {  	(tm) =	ssettm $0x7FFFFFFF  }
0xc3: {  	_ =	shalt  }
tec
execute0_lowered:
.L_overlay_start_1:
0x0: {  	(tag) =	ssettag $0x1  }
0x1: {  	s0 =	rddreg [dreg:$0x0]  }
0x2: {  	s1 =	rddreg [dreg:$0x1];
	s3 =	srdreg.scid;
	s2 =	simm.s32 $0x0  }
0x3: {  	s4 =	stileid.u32;
	s11 =	simm.s32 $0x80;
	s12 =	simm.s32 $0x300  }
0x4: {  	s16 =	simm.s32 $0x0;
	s28 =	simm.s32 $0x5100;
	s29 =	simm.s32 $0x5900  }
0x5: {  	s30 =	simm.s32 $0x6100;
	s31 =	simm.s32 $0x6900;
	s13 =	simm.s32 $0x9100  }
0x6: {  	s9 =	simm.s32 $0x9900;
	s14 =	simm.s32 $0xA100;
	s15 =	simm.s32 $0xA900  }
0x7: {  	s10 =	simm.s32 $0xB100;
	s3 =	sand.u32 $0x1, s3;
	[smem:$0x7FF] =	sst s2  }
0x8: {  	s4 =	sshll.u32 s4, $0x7;
	s8 =	sadd.s32 $0x2400, s1;
	s5 =	sshll.u32 s3, $0x6  }
0x9: {  	_ =	strace $0x80000047;
	s22 =	ssub.s32 $0x2, s3;
	s4 =	sor.u32 s5, s4  }
0xa: {  	s3 =	sadd.s32 $0x2200, s1;
	s6 =	sshrl.u32 s22, $0x1;
	s23 =	sshrl.u32 s4, $0x3  }
0xb: {  	s4 =	smul.u32 $0x60, s4;
	s5 =	ssub.s32 s22, s6;
	s7 =	sadd.s32 s23, s1  }
0xc: {  	s26 =	smax.u32 s5, $0x1;
	s23 =	simm.s32 $0x3100;
	s5 =	simm.s32 $0x8900  }
0xd: {  	s24 =	sadd.s32 $0x1E00, s7;
	s25 =	sadd.s32 $0x2000, s7;
	s6 =	sadd.s32 s0, s4  }
0xe: {  	v2 =	vlaneseq.u32;
	s7 =	sadd.s32 $0x2300, s1;
	[dreg:$0x5] =	wrdreg s26;
	s0 =	simm.s32 $0x3  }
0xf: {  	vm0 =	vmmov $0xffff;
	v1 =	vshrl.u32 v2, $0x3;
	s26 =	simm.s32 $0x4900;
	s4 =	simm.s32 $0x8100;
	[dreg:$0x3] =	wrdreg s24  }
0x10: {  	v0 =	vand.u32 $0x7, v2;
	v2 =	vor.u32 $0x8, v2;
	v1 =	vmul.u32 $0x8, v1;
	[dreg:$0x4] =	wrdreg s25;
	s24 =	simm.s32 $0x3900;
	s25 =	simm.s32 $0x4100  }
.LBB2_1:
0x11: {  	s17 =	rddreg [dreg:$0x3]  }
0x12: {  	[tilespmem:s2], [sflag:$0x3] =	stream.linear.gather [hbm4b:s17+s2], $0x40, $0x38;
	[tilespmem:$0xC100] =	vst v63  }
0x13: {  	_ =	swait.ge [sflag:s0], $0x40  }
0x14: {  	[sflag:s0] =	ssyncset.done $0x0  }
0x15: {  	s19 =	rddreg [dreg:$0x4];
	[sflag:s0] =	ssyncadd.s32 $0xFFFFFFC0  }
0x16: {  	[tilespmem:s11], [sflag:$0x3] =	stream.linear.gather [hbm4b:s19+s2], $0x40, $0x38;
	[tilespmem:$0xC100] =	vst v63  }
0x17: {  	_ =	swait.ge [sflag:s0], $0x40  }
0x18: {  	[sflag:s0] =	ssyncset.done $0x0  }
0x19: {  	s20 =	simm.s32 $0x100;
	[sflag:s0] =	ssyncadd.s32 $0xFFFFFFC0  }
0x1a: {  	[tilespmem:s20], [sflag:$0x3] =	stream.strided.gather [hbm4b:s6+s11], $0x400, s12, s11, $0x38;
	[tilespmem:$0xC100] =	vst v63  }
0x1b: {  	s21 =	sadd.s32 $0x10, s6;
	s18 =	simm.s32 $0x500  }
0x1c: {  	[tilespmem:s18], [sflag:$0x3] =	stream.strided.gather [hbm4b:s21+s11], $0x400, s12, s11, $0x38;
	[tilespmem:$0xC100] =	vst v63  }
0x1d: {  	s22 =	sadd.s32 $0x20, s6;
	s1 =	simm.s32 $0x900  }
0x1e: {  	[tilespmem:s1], [sflag:$0x3] =	stream.strided.gather [hbm4b:s22+s11], $0x400, s12, s11, $0x38;
	[tilespmem:$0xC100] =	vst v63  }
0x1f: {  	s17 =	simm.s32 $0x1800;
	s19 =	sadd.s32 $0x30, s6;
	s20 =	simm.s32 $0xD00  }
0x20: {  	[tilespmem:s20], [sflag:$0x3] =	stream.strided.gather [hbm4b:s19+s11], $0x400, s12, s11, $0x38;
	[tilespmem:$0xC100] =	vst v63  }
0x21: {  	s21 =	sadd.s32 $0x40, s6;
	s18 =	sadd.s32 $0x300, s6;
	s22 =	simm.s32 $0x1100  }
0x22: {  	[tilespmem:s22], [sflag:$0x3] =	stream.strided.gather [hbm4b:s21+s11], $0x400, s12, s11, $0x38;
	[tilespmem:$0xC100] =	vst v63  }
0x23: {  	s19 =	simm.s32 $0xC000;
	s20 =	sadd.s32 $0x50, s6;
	s21 =	simm.s32 $0x1500  }
.LBB2_2:
0x24: {  	[tilespmem:s21], [sflag:$0x3] =	stream.strided.gather [hbm4b:s20+s11], $0x400, s12, s11, $0x38;
	[tilespmem:$0xC100] =	vst v63  }
0x25: {  	s21 =	smov.u32 s17;
	s17 =	smov.u32 s19  }
0x26: {  	s22 =	sadd.s32 $0x6000, s19;
	s17 =	sshra.s32 s17, $0x2;
	s20 =	sadd.s32 $0x100, s21  }
0x27: {  	[tilespmem:s20], [sflag:$0x3] =	stream.strided.gather [hbm4b:s18+s11], $0x400, s12, s11, $0x38;
	[tilespmem:$0xC100] =	vst v63  }
0x28: {  	p0 =	sne.s32 s19, $0x2A000;
	s19 =	sadd.s32 $0x10, s18;
	s20 =	sadd.s32 $0x500, s21  }
0x29: {  	[tilespmem:s20], [sflag:$0x3] =	stream.strided.gather [hbm4b:s19+s11], $0x400, s12, s11, $0x38;
	[tilespmem:$0xC100] =	vst v63  }
0x2a: {  	s19 =	sadd.s32 $0x20, s18;
	s20 =	sadd.s32 $0x900, s21  }
0x2b: {  	[tilespmem:s20], [sflag:$0x3] =	stream.strided.gather [hbm4b:s19+s11], $0x400, s12, s11, $0x38;
	[tilespmem:$0xC100] =	vst v63  }
.Ltmp0:
0x2c: {  	s19 =	sadd.s32 $0x30, s18;
	s20 =	sadd.s32 $0xD00, s21;
	(pc) =	sbr.rel @p0 .LBB2_2-.Ltmp0, $4  }
0x2d: {  	[tilespmem:s20], [sflag:$0x3] =	stream.strided.gather [hbm4b:s19+s11], $0x400, s12, s11, $0x38;
	[tilespmem:$0xC100] =	vst v63  }
0x2e: {  	s19 =	sadd.s32 $0x40, s18;
	s20 =	sadd.s32 $0x1100, s21;
	s21 =	sadd.s32 $0x1500, s21  }
0x2f: {  	[tilespmem:s20], [sflag:$0x3] =	stream.strided.gather [hbm4b:s19+s11], $0x400, s12, s11, $0x38;
	[tilespmem:$0xC100] =	vst v63  }
0x30: {  	s20 =	sadd.s32 $0x50, s18;
	s18 =	sadd.s32 $0x300, s18;
	s19 =	smov.u32 s22  }
0x31: {  	[tilespmem:s21], [sflag:$0x3] =	stream.strided.gather [hbm4b:s20+s11], $0x400, s12, s11, $0x38;
	[tilespmem:$0xC100] =	vst v63  }
0x32: {  	s19 =	sadd.s32 $0x100, s17  }
0x33: {  	[tilespmem:s19], [sflag:$0x3] =	stream.strided.gather [hbm4b:s18+s11], $0x400, s12, s11, $0x38;
	[tilespmem:$0xC100] =	vst v63  }
0x34: {  	s20 =	sadd.s32 $0x10, s18;
	s21 =	sadd.s32 $0x500, s17  }
0x35: {  	[tilespmem:s21], [sflag:$0x3] =	stream.strided.gather [hbm4b:s20+s11], $0x400, s12, s11, $0x38;
	[tilespmem:$0xC100] =	vst v63  }
0x36: {  	s22 =	sadd.s32 $0x20, s18;
	s1 =	sadd.s32 $0x900, s17  }
0x37: {  	[tilespmem:s1], [sflag:$0x3] =	stream.strided.gather [hbm4b:s22+s11], $0x400, s12, s11, $0x38;
	[tilespmem:$0xC100] =	vst v63  }
0x38: {  	s20 =	sadd.s32 $0x30, s18;
	s21 =	sadd.s32 $0xD00, s17  }
0x39: {  	[tilespmem:s21], [sflag:$0x3] =	stream.strided.gather [hbm4b:s20+s11], $0x400, s12, s11, $0x38;
	[tilespmem:$0xC100] =	vst v63  }
0x3a: {  	s22 =	sadd.s32 $0x40, s18;
	s1 =	sadd.s32 $0x1100, s17  }
0x3b: {  	[tilespmem:s1], [sflag:$0x3] =	stream.strided.gather [hbm4b:s22+s11], $0x400, s12, s11, $0x38;
	[tilespmem:$0xC100] =	vst v63  }
0x3c: {  	s21 =	sadd.s32 $0x50, s18;
	s22 =	sadd.s32 $0x1500, s17  }
0x3d: {  	[tilespmem:s22], [sflag:$0x3] =	stream.strided.gather [hbm4b:s21+s11], $0x400, s12, s11, $0x38;
	[tilespmem:$0xC100] =	vst v63  }
0x3e: {  	_ =	swait.ge [sflag:s0], $0xC000  }
0x3f: {  	[sflag:s0] =	ssyncset.done $0x0  }
0x40: {  	[sflag:s0] =	ssyncadd.s32 $0xFFFF4000  }
0x41: {  	v3 =	vld [tilespmem:$0x0];
	_ =	sdelay $0x4  }
0x42: {  	v4 =	vshrl.u32 v3, $0x3  }
0x43: {  	v4 =	vmul.u32 $0x30, v4  }
0x44: {  	v3 =	vand.u32 $0x7, v3  }
0x45: {  	v3 =	vor.u32 v3, v4  }
0x46: {  	v4 =	vperm.xlane v3, v0;
	_ =	sdelay $0x1  }
0x47: {  	v4 =	vadd.s32 v1, v4;
	_ =	sdelay $0x3  }
0x48: {  	s17 =	simm.s32 $0x100;
	v3 =	vperm.xlane v3, v2  }
0x49: {  	[hbm4b:s3+s2] =	stream.indirect_vreg.scatter [tilespmem:s17], [sflag:$0x1], $0x80, v4, vm0, $0xb8;
	[tilespmem:$0xC100] =	vst v63  }
0x4a: {  	s18 =	simm.s32 $0x900;
	v3 =	vadd.s32 v1, v3  }
0x4b: {  	[hbm4b:s7+s2] =	stream.indirect_vreg.scatter [tilespmem:s18], [sflag:$0x1], $0x80, v4, vm0, $0xb8;
	[tilespmem:$0xC100] =	vst v63  }
0x4c: {  	s19 =	simm.s32 $0x1100  }
0x4d: {  	[hbm4b:s8+s2] =	stream.indirect_vreg.scatter [tilespmem:s19], [sflag:$0x1], $0x80, v4, vm0, $0xb8;
	[tilespmem:$0xC100] =	vst v63  }
0x4e: {  	s20 =	simm.s32 $0x1900  }
0x4f: {  	[hbm4b:s3+s2] =	stream.indirect_vreg.scatter [tilespmem:s20], [sflag:$0x1], $0x80, v3, vm0, $0xb8;
	[tilespmem:$0xC100] =	vst v63  }
0x50: {  	s21 =	simm.s32 $0x2100  }
0x51: {  	[hbm4b:s7+s2] =	stream.indirect_vreg.scatter [tilespmem:s21], [sflag:$0x1], $0x80, v3, vm0, $0xb8;
	[tilespmem:$0xC100] =	vst v63  }
0x52: {  	s22 =	simm.s32 $0x2900  }
0x53: {  	[hbm4b:s8+s2] =	stream.indirect_vreg.scatter [tilespmem:s22], [sflag:$0x1], $0x80, v3, vm0, $0xb8;
	[tilespmem:$0xC100] =	vst v63  }
0x54: {  	v3 =	vld [tilespmem:$0x10];
	_ =	sdelay $0x4  }
0x55: {  	v57 =	vshrl.u32 v3, $0x3  }
0x56: {  	v4 =	vmul.u32 $0x30, v57  }
0x57: {  	v3 =	vand.u32 $0x7, v3  }
0x58: {  	v3 =	vor.u32 v3, v4  }
0x59: {  	v4 =	vperm.xlane v3, v0;
	_ =	sdelay $0x1  }
0x5a: {  	v4 =	vadd.s32 v1, v4;
	_ =	sdelay $0x3  }
0x5b: {  	v3 =	vperm.xlane v3, v2  }
0x5c: {  	[hbm4b:s3+s2] =	stream.indirect_vreg.scatter [tilespmem:s23], [sflag:$0x1], $0x80, v4, vm0, $0xb8;
	[tilespmem:$0xC100] =	vst v63  }
0x5d: {  	v3 =	vadd.s32 v1, v3  }
0x5e: {  	[hbm4b:s7+s2] =	stream.indirect_vreg.scatter [tilespmem:s24], [sflag:$0x1], $0x80, v4, vm0, $0xb8;
	[tilespmem:$0xC100] =	vst v63  }
0x5f: {  	_ = 	snop  }
0x60: {  	[hbm4b:s8+s2] =	stream.indirect_vreg.scatter [tilespmem:s25], [sflag:$0x1], $0x80, v4, vm0, $0xb8;
	[tilespmem:$0xC100] =	vst v63  }
0x61: {  	_ = 	snop  }
0x62: {  	[hbm4b:s3+s2] =	stream.indirect_vreg.scatter [tilespmem:s26], [sflag:$0x1], $0x80, v3, vm0, $0xb8;
	[tilespmem:$0xC100] =	vst v63  }
0x63: {  	_ = 	snop  }
0x64: {  	[hbm4b:s7+s2] =	stream.indirect_vreg.scatter [tilespmem:s28], [sflag:$0x1], $0x80, v3, vm0, $0xb8;
	[tilespmem:$0xC100] =	vst v63  }
0x65: {  	_ = 	snop  }
0x66: {  	[hbm4b:s8+s2] =	stream.indirect_vreg.scatter [tilespmem:s29], [sflag:$0x1], $0x80, v3, vm0, $0xb8;
	[tilespmem:$0xC100] =	vst v63  }
0x67: {  	v3 =	vld [tilespmem:$0x20];
	_ =	sdelay $0x4  }
0x68: {  	v58 =	vshrl.u32 v3, $0x3  }
0x69: {  	v4 =	vmul.u32 $0x30, v58  }
0x6a: {  	v3 =	vand.u32 $0x7, v3  }
0x6b: {  	v3 =	vor.u32 v3, v4  }
0x6c: {  	v4 =	vperm.xlane v3, v0;
	_ =	sdelay $0x1  }
0x6d: {  	v4 =	vadd.s32 v1, v4;
	_ =	sdelay $0x3  }
0x6e: {  	v3 =	vperm.xlane v3, v2  }
0x6f: {  	[hbm4b:s3+s2] =	stream.indirect_vreg.scatter [tilespmem:s30], [sflag:$0x1], $0x80, v4, vm0, $0xb8;
	[tilespmem:$0xC100] =	vst v63  }
0x70: {  	v3 =	vadd.s32 v1, v3  }
0x71: {  	[hbm4b:s7+s2] =	stream.indirect_vreg.scatter [tilespmem:s31], [sflag:$0x1], $0x80, v4, vm0, $0xb8;
	[tilespmem:$0xC100] =	vst v63  }
0x72: {  	s1 =	simm.s32 $0x7100  }
0x73: {  	[hbm4b:s8+s2] =	stream.indirect_vreg.scatter [tilespmem:s1], [sflag:$0x1], $0x80, v4, vm0, $0xb8;
	[tilespmem:$0xC100] =	vst v63  }
0x74: {  	s1 =	simm.s32 $0x7900  }
0x75: {  	[hbm4b:s3+s2] =	stream.indirect_vreg.scatter [tilespmem:s1], [sflag:$0x1], $0x80, v3, vm0, $0xb8;
	[tilespmem:$0xC100] =	vst v63  }
0x76: {  	_ = 	snop  }
0x77: {  	[hbm4b:s7+s2] =	stream.indirect_vreg.scatter [tilespmem:s4], [sflag:$0x1], $0x80, v3, vm0, $0xb8;
	[tilespmem:$0xC100] =	vst v63  }
0x78: {  	_ = 	snop  }
0x79: {  	[hbm4b:s8+s2] =	stream.indirect_vreg.scatter [tilespmem:s5], [sflag:$0x1], $0x80, v3, vm0, $0xb8;
	[tilespmem:$0xC100] =	vst v63  }
0x7a: {  	v3 =	vld [tilespmem:$0x30];
	_ =	sdelay $0x4  }
0x7b: {  	v59 =	vshrl.u32 v3, $0x3  }
0x7c: {  	v4 =	vmul.u32 $0x30, v59  }
0x7d: {  	v3 =	vand.u32 $0x7, v3  }
0x7e: {  	v3 =	vor.u32 v3, v4  }
0x7f: {  	v4 =	vperm.xlane v3, v0;
	_ =	sdelay $0x1  }
0x80: {  	v4 =	vadd.s32 v1, v4;
	_ =	sdelay $0x3  }
0x81: {  	v3 =	vperm.xlane v3, v2  }
0x82: {  	[hbm4b:s3+s2] =	stream.indirect_vreg.scatter [tilespmem:s13], [sflag:$0x1], $0x80, v4, vm0, $0xb8;
	[tilespmem:$0xC100] =	vst v63  }
0x83: {  	v3 =	vadd.s32 v1, v3  }
0x84: {  	[hbm4b:s7+s2] =	stream.indirect_vreg.scatter [tilespmem:s9], [sflag:$0x1], $0x80, v4, vm0, $0xb8;
	[tilespmem:$0xC100] =	vst v63  }
0x85: {  	_ = 	snop  }
0x86: {  	[hbm4b:s8+s2] =	stream.indirect_vreg.scatter [tilespmem:s14], [sflag:$0x1], $0x80, v4, vm0, $0xb8;
	[tilespmem:$0xC100] =	vst v63  }
0x87: {  	_ = 	snop  }
0x88: {  	[hbm4b:s3+s2] =	stream.indirect_vreg.scatter [tilespmem:s15], [sflag:$0x1], $0x80, v3, vm0, $0xb8;
	[tilespmem:$0xC100] =	vst v63  }
0x89: {  	_ = 	snop  }
0x8a: {  	[hbm4b:s7+s2] =	stream.indirect_vreg.scatter [tilespmem:s10], [sflag:$0x1], $0x80, v3, vm0, $0xb8;
	[tilespmem:$0xC100] =	vst v63  }
0x8b: {  	s0 =	simm.s32 $0xB900  }
0x8c: {  	[hbm4b:s8+s2] =	stream.indirect_vreg.scatter [tilespmem:s0], [sflag:$0x1], $0x80, v3, vm0, $0xb8;
	[tilespmem:$0xC100] =	vst v63  }
0x8d: {  	v3 =	vld [tilespmem:$0x80];
	_ =	sdelay $0x4  }
0x8e: {  	v60 =	vshrl.u32 v3, $0x3  }
0x8f: {  	v4 =	vmul.u32 $0x30, v60  }
0x90: {  	v3 =	vand.u32 $0x7, v3  }
0x91: {  	v3 =	vor.u32 v3, v4  }
0x92: {  	v4 =	vperm.xlane v3, v0;
	_ =	sdelay $0x1  }
0x93: {  	v4 =	vadd.s32 v1, v4;
	_ =	sdelay $0x3  }
0x94: {  	v3 =	vperm.xlane v3, v2  }
0x95: {  	[hbm4b:s3+s2] =	stream.indirect_vreg.scatter [tilespmem:s17], [sflag:$0x2], $0x80, v4, vm0, $0xb8;
	[tilespmem:$0xC100] =	vst v63  }
0x96: {  	v3 =	vadd.s32 v1, v3  }
0x97: {  	[hbm4b:s7+s2] =	stream.indirect_vreg.scatter [tilespmem:s18], [sflag:$0x2], $0x80, v4, vm0, $0xb8;
	[tilespmem:$0xC100] =	vst v63  }
0x98: {  	_ = 	snop  }
0x99: {  	[hbm4b:s8+s2] =	stream.indirect_vreg.scatter [tilespmem:s19], [sflag:$0x2], $0x80, v4, vm0, $0xb8;
	[tilespmem:$0xC100] =	vst v63  }
0x9a: {  	_ = 	snop  }
0x9b: {  	[hbm4b:s3+s2] =	stream.indirect_vreg.scatter [tilespmem:s20], [sflag:$0x2], $0x80, v3, vm0, $0xb8;
	[tilespmem:$0xC100] =	vst v63  }
0x9c: {  	_ = 	snop  }
0x9d: {  	[hbm4b:s7+s2] =	stream.indirect_vreg.scatter [tilespmem:s21], [sflag:$0x2], $0x80, v3, vm0, $0xb8;
	[tilespmem:$0xC100] =	vst v63  }
0x9e: {  	_ = 	snop  }
0x9f: {  	[hbm4b:s8+s2] =	stream.indirect_vreg.scatter [tilespmem:s22], [sflag:$0x2], $0x80, v3, vm0, $0xb8;
	[tilespmem:$0xC100] =	vst v63  }
0xa0: {  	v3 =	vld [tilespmem:$0x90];
	_ =	sdelay $0x4  }
0xa1: {  	v61 =	vshrl.u32 v3, $0x3  }
0xa2: {  	v4 =	vmul.u32 $0x30, v61  }
0xa3: {  	v3 =	vand.u32 $0x7, v3  }
0xa4: {  	v3 =	vor.u32 v3, v4  }
0xa5: {  	v4 =	vperm.xlane v3, v0;
	_ =	sdelay $0x1  }
0xa6: {  	v4 =	vadd.s32 v1, v4;
	_ =	sdelay $0x3  }
0xa7: {  	v3 =	vperm.xlane v3, v2  }
0xa8: {  	[hbm4b:s3+s2] =	stream.indirect_vreg.scatter [tilespmem:s23], [sflag:$0x2], $0x80, v4, vm0, $0xb8;
	[tilespmem:$0xC100] =	vst v63  }
0xa9: {  	v3 =	vadd.s32 v1, v3  }
0xaa: {  	[hbm4b:s7+s2] =	stream.indirect_vreg.scatter [tilespmem:s24], [sflag:$0x2], $0x80, v4, vm0, $0xb8;
	[tilespmem:$0xC100] =	vst v63  }
0xab: {  	_ = 	snop  }
0xac: {  	[hbm4b:s8+s2] =	stream.indirect_vreg.scatter [tilespmem:s25], [sflag:$0x2], $0x80, v4, vm0, $0xb8;
	[tilespmem:$0xC100] =	vst v63  }
0xad: {  	_ = 	snop  }
0xae: {  	[hbm4b:s3+s2] =	stream.indirect_vreg.scatter [tilespmem:s26], [sflag:$0x2], $0x80, v3, vm0, $0xb8;
	[tilespmem:$0xC100] =	vst v63  }
0xaf: {  	_ = 	snop  }
0xb0: {  	[hbm4b:s7+s2] =	stream.indirect_vreg.scatter [tilespmem:s28], [sflag:$0x2], $0x80, v3, vm0, $0xb8;
	[tilespmem:$0xC100] =	vst v63  }
0xb1: {  	_ = 	snop  }
0xb2: {  	[hbm4b:s8+s2] =	stream.indirect_vreg.scatter [tilespmem:s29], [sflag:$0x2], $0x80, v3, vm0, $0xb8;
	[tilespmem:$0xC100] =	vst v63  }
0xb3: {  	v3 =	vld [tilespmem:$0xA0];
	_ =	sdelay $0x4  }
0xb4: {  	v62 =	vshrl.u32 v3, $0x3  }
0xb5: {  	v4 =	vmul.u32 $0x30, v62  }
0xb6: {  	v3 =	vand.u32 $0x7, v3  }
0xb7: {  	v3 =	vor.u32 v3, v4  }
0xb8: {  	v4 =	vperm.xlane v3, v0;
	_ =	sdelay $0x1  }
0xb9: {  	v4 =	vadd.s32 v1, v4;
	_ =	sdelay $0x3  }
0xba: {  	v3 =	vperm.xlane v3, v2  }
0xbb: {  	[hbm4b:s3+s2] =	stream.indirect_vreg.scatter [tilespmem:s30], [sflag:$0x2], $0x80, v4, vm0, $0xb8;
	[tilespmem:$0xC100] =	vst v63  }
0xbc: {  	v3 =	vadd.s32 v1, v3  }
0xbd: {  	[hbm4b:s7+s2] =	stream.indirect_vreg.scatter [tilespmem:s31], [sflag:$0x2], $0x80, v4, vm0, $0xb8;
	[tilespmem:$0xC100] =	vst v63  }
0xbe: {  	s18 =	simm.s32 $0x7100  }
0xbf: {  	[hbm4b:s8+s2] =	stream.indirect_vreg.scatter [tilespmem:s18], [sflag:$0x2], $0x80, v4, vm0, $0xb8;
	[tilespmem:$0xC100] =	vst v63  }
0xc0: {  	_ = 	snop  }
0xc1: {  	[hbm4b:s3+s2] =	stream.indirect_vreg.scatter [tilespmem:s1], [sflag:$0x2], $0x80, v3, vm0, $0xb8;
	[tilespmem:$0xC100] =	vst v63  }
0xc2: {  	_ = 	snop  }
0xc3: {  	[hbm4b:s7+s2] =	stream.indirect_vreg.scatter [tilespmem:s4], [sflag:$0x2], $0x80, v3, vm0, $0xb8;
	[tilespmem:$0xC100] =	vst v63  }
0xc4: {  	_ = 	snop  }
0xc5: {  	[hbm4b:s8+s2] =	stream.indirect_vreg.scatter [tilespmem:s5], [sflag:$0x2], $0x80, v3, vm0, $0xb8;
	[tilespmem:$0xC100] =	vst v63  }
0xc6: {  	v3 =	vld [tilespmem:$0xB0];
	_ =	sdelay $0x4  }
0xc7: {  	v63 =	vshrl.u32 v3, $0x3  }
0xc8: {  	v4 =	vmul.u32 $0x30, v63  }
0xc9: {  	v3 =	vand.u32 $0x7, v3  }
0xca: {  	v3 =	vor.u32 v3, v4  }
0xcb: {  	v4 =	vperm.xlane v3, v0;
	_ =	sdelay $0x1  }
0xcc: {  	v4 =	vadd.s32 v1, v4;
	_ =	sdelay $0x3  }
0xcd: {  	v3 =	vperm.xlane v3, v2  }
0xce: {  	[hbm4b:s3+s2] =	stream.indirect_vreg.scatter [tilespmem:s13], [sflag:$0x2], $0x80, v4, vm0, $0xb8;
	[tilespmem:$0xC100] =	vst v63  }
0xcf: {  	v3 =	vadd.s32 v1, v3  }
0xd0: {  	[hbm4b:s7+s2] =	stream.indirect_vreg.scatter [tilespmem:s9], [sflag:$0x2], $0x80, v4, vm0, $0xb8;
	[tilespmem:$0xC100] =	vst v63  }
0xd1: {  	_ = 	snop  }
0xd2: {  	[hbm4b:s8+s2] =	stream.indirect_vreg.scatter [tilespmem:s14], [sflag:$0x2], $0x80, v4, vm0, $0xb8;
	[tilespmem:$0xC100] =	vst v63  }
0xd3: {  	_ = 	snop  }
0xd4: {  	[hbm4b:s3+s2] =	stream.indirect_vreg.scatter [tilespmem:s15], [sflag:$0x2], $0x80, v3, vm0, $0xb8;
	[tilespmem:$0xC100] =	vst v63  }
0xd5: {  	_ = 	snop  }
0xd6: {  	[hbm4b:s7+s2] =	stream.indirect_vreg.scatter [tilespmem:s10], [sflag:$0x2], $0x80, v3, vm0, $0xb8;
	[tilespmem:$0xC100] =	vst v63  }
0xd7: {  	s19 =	simm.s32 $0xB900;
	s20 =	simm.s32 $0x1  }
0xd8: {  	[hbm4b:s8+s2] =	stream.indirect_vreg.scatter [tilespmem:s19], [sflag:$0x2], $0x80, v3, vm0, $0xb8;
	[tilespmem:$0xC100] =	vst v63  }
0xd9: {  	_ =	swait.ge [sflag:s20], $0xC000  }
0xda: {  	[sflag:s20] =	ssyncset.done $0x0  }
0xdb: {  	s21 =	simm.s32 $0x2;
	[sflag:s20] =	ssyncadd.s32 $0xFFFF4000  }
0xdc: {  	_ =	swait.ge [sflag:s21], $0xC000  }
0xdd: {  	s16 =	sadd.s32 $0x1, s16;
	s22 =	rddreg [dreg:$0x5]  }
0xde: {  	p0 =	sne.s32 s16, s22  }
.Ltmp1:
0xdf: {  	_ = 	snop;
	(pc) =	sbr.rel @p0 .LBB2_1-.Ltmp1, $3  }
0xe0: {  	_ =	sdelay $0x1  }
0xe1: {  	[sflag:s21] =	ssyncset.done $0x0  }
0xe2: {  	s0 =	simm.s32 $0x3;
	[sflag:s21] =	ssyncadd.s32 $0xFFFF4000  }
0xe3: {  	_ =	sfence.sel $0x180000  }
0xe4: {  	[bflag:$0x0] =	sbarrier.arrive $0xFFFF  }
0xe5: {  	_ =	strace $0x90000047  }
0xe6: {  	s0 =	stileid.u32;
	[bflag:$0x2] =	sbarrier.arrive $0xFFFF  }
0xe7: {  	p0 =	sne.s32 s0, $0x0;
	s0 =	rddreg [dreg:$0x2]  }
0xe8: {  	s0 =	sadd.s32 @!p0 $0x100000, s0  }
0xe9: {  	[sflag:s0] =	ssyncadd.tile.s32 @!p0 $0x1;
	_ =	shalt  }
.Lfunc_end2:
_tile_overlayer_lowered:
.L_overlay_start_2:
0xea: {  	(tag) =	ssettag $0x2  }
0xeb: {  	s0 =	rddreg [dreg:$0x0];
	s2 =	stileid.u32  }
0xec: {  	s1 =	rddreg [dreg:$0x1];
	p0 =	sne.s32 s2, $0x0  }
0xed: {  	s3 =	rddreg [dreg:$0x2];
	[bflag:$0x3] =	sbarrier.arrive $0xFFFF;
	s2 =	simm.s32 @!p0 $0x1C03  }
0xee: {  	[timem:s3], [sflag:s2] =	dma.local @!p0 [hbm:s0], s1  }
0xef: {  	s0 =	simm.s32 @!p0 $0x3  }
0xf0: {  	_ =	swait.ge @!p0 [sflag:s0], s1  }
0xf1: {  	s1 =	ssub.s32 @!p0 $0x0, s1;
	[sflag:s0] =	ssyncset.done @!p0 $0x0  }
0xf2: {  	[sflag:s0] =	ssyncadd.s32 @!p0 s1  }
0xf3: {  	[bflag:$0x3] =	sbarrier.arrive $0xFFFF  }
0xf4: {  	_ =	shalt  }

</sc_bundles>
